<compile_context>
chip_gen: v7x
topology: tpu7x:2x2x1
jax: 0.10.2.dev20260603
libtpu: 0.0.44.dev20260713+nightly
codegen_flags: <defaults>
</compile_context>

<pallas_src>
import functools

import jax
import jax.numpy as jnp
from jax import lax
from jax.experimental import pallas as pl
from jax.experimental.pallas import tpu as pltpu
from jax.experimental.pallas import tpu_sc as plsc

N_NODES = 10000
N_EDGES = 320000
D = 128

NC = 2
NS = 16
L = 16
NW = NC * NS
FPW = D // NW
CHUNK = 6400
N_CHUNKS = N_EDGES // CHUNK
NCT = (N_NODES + 127) // 128


def _sc_agg_body(xt_hbm, edges_hbm, aggt_hbm,
                 xtv, xv, accv, eb0, eb1, sem0, sem1):
    c = lax.axis_index("c")
    s = lax.axis_index("s")
    wid = c * NS + s
    fbase = wid * FPW

    def fetch(ci, eb, sem):
        pltpu.make_async_copy(
            edges_hbm.at[pl.ds(ci * CHUNK, CHUNK)], eb, sem).start()

    def drain(eb, sem):
        pltpu.make_async_copy(
            edges_hbm.at[pl.ds(0, CHUNK)], eb, sem).wait()

    fetch(0, eb0, sem0)
    fetch(1, eb1, sem1)
    pltpu.sync_copy(xt_hbm.at[pl.ds(fbase, FPW)], xtv)

    zero16 = jnp.zeros((L,), jnp.float32)

    @plsc.parallel_loop(0, NCT * 8, unroll=8)
    def _zero(i):
        for j in range(FPW):
            accv[i // 8, j, pl.ds((i % 8) * L, L)] = zero16

    @plsc.parallel_loop(0, N_NODES // L, unroll=8)
    def _pack(i):
        for p in range(FPW // 2):
            a = xtv[2 * p, pl.ds(i * L, L)]
            bvals = xtv[2 * p + 1, pl.ds(i * L, L)]
            packed = plsc.pack(a, bvals, format=plsc.PackFormat.INTERLEAVED)
            xv[p, pl.ds(i * L, L)] = plsc.bitcast(packed, jnp.int32)

    def process(eb):
        @plsc.parallel_loop(0, CHUNK // L, unroll=8)
        def _steps(i):
            w16 = eb[pl.ds(i * L, L)]
            col16, row16 = plsc.unpack(plsc.bitcast(w16, jnp.int16),
                                       format=plsc.PackFormat.INTERLEAVED,
                                       preferred_element_type=jnp.int32)
            ct16 = row16 >> 7
            c16 = row16 & 127
            for p in range(FPW // 2):
                pv = jnp.full((L,), p, jnp.int32)
                w = plsc.load_gather(xv, [pv, col16])
                lo, hi = plsc.unpack(plsc.bitcast(w, jnp.bfloat16),
                                     format=plsc.PackFormat.INTERLEAVED)
                j0 = jnp.full((L,), 2 * p, jnp.int32)
                j1 = jnp.full((L,), 2 * p + 1, jnp.int32)
                plsc.addupdate_scatter(accv, [ct16, j0, c16], lo)
                plsc.addupdate_scatter(accv, [ct16, j1, c16], hi)

    bufs = ((eb0, sem0), (eb1, sem1))

    def pair_body(k, _):
        for b in range(2):
            ci = k * 2 + b
            eb, sem = bufs[b]
            drain(eb, sem)
            process(eb)

            @pl.when(ci + 2 < N_CHUNKS)
            def _():
                fetch(ci + 2, eb, sem)
        return 0

    lax.fori_loop(0, N_CHUNKS // 2, pair_body, 0)

    rt = wid // 2
    r8b = (wid % 2) * FPW
    pltpu.sync_copy(accv, aggt_hbm.at[rt, :, pl.ds(r8b, FPW), :])


_sc_agg = functools.partial(
    pl.kernel,
    out_type=jax.ShapeDtypeStruct((D // 8, NCT, 8, 128), jnp.float32),
    mesh=plsc.VectorSubcoreMesh(core_axis_name="c", subcore_axis_name="s"),
    compiler_params=pltpu.CompilerParams(use_tc_tiling_on_sc=False,
                                         needs_layout_passes=False),
    scratch_types=[
        pltpu.VMEM((FPW, N_NODES), jnp.float32),
        pltpu.VMEM((FPW // 2, N_NODES), jnp.int32),
        pltpu.VMEM((NCT, FPW, 128), jnp.float32),
        pltpu.VMEM((CHUNK,), jnp.int32),
        pltpu.VMEM((CHUNK,), jnp.int32),
        pltpu.SemaphoreType.DMA,
        pltpu.SemaphoreType.DMA,
    ],
)(_sc_agg_body)


def _tc_edgepack_body(e_ref, o_ref):
    e = e_ref[...]
    o_ref[...] = (e[0] << 16) | e[1]


def _tc_edgepack(edge_index):
    return pl.pallas_call(
        _tc_edgepack_body,
        out_shape=jax.ShapeDtypeStruct((N_EDGES,), jnp.int32),
    )(edge_index)


def _tc_linear_body(a4_ref, w_ref, b_ref, o_ref):
    a = a4_ref[...].reshape(D, 128)
    w = w_ref[...]
    acc = lax.dot_general(a, w, (((0,), (1,)), ((), ())),
                          preferred_element_type=jnp.float32)
    o_ref[...] = jnp.maximum(acc + b_ref[...], 0.0)


def _tc_linear(aggt4, w, b2d):
    return pl.pallas_call(
        _tc_linear_body,
        grid=(NCT,),
        in_specs=[
            pl.BlockSpec((D // 8, 1, 8, 128), lambda i: (0, i, 0, 0)),
            pl.BlockSpec((D, D), lambda i: (0, 0)),
            pl.BlockSpec((1, D), lambda i: (0, 0)),
        ],
        out_specs=pl.BlockSpec((128, D), lambda i: (i, 0)),
        out_shape=jax.ShapeDtypeStruct((N_NODES, D), jnp.float32),
    )(aggt4, w, b2d)


def kernel(x, edge_index, W, b):
    xt = x.T
    epk = _tc_edgepack(edge_index)
    aggt = _sc_agg(xt, epk)
    return _tc_linear(aggt, W, b.reshape(1, D))

# --- scband reference (transcript-rebuilt; emitter-appended) ---
"""Pipeline reference for scband-gnnlayer-3229815407284 (READ-ONLY COPY).

The authoritative reference and input builder live on the scoring server;
editing this copy changes nothing except your own understanding.
"""

import jax, jax.numpy as jnp
import numpy as np

N_NODES = 10000
N_EDGES = 320000
D_IN = 128
D_OUT = 128


def setup_inputs(seed: int = 0) -> dict:
    key = jax.random.key(seed)
    k1, k2, k3 = jax.random.split(key, 3)
    x = jax.random.normal(k1, (N_NODES, D_IN), dtype=jnp.float32)
    edge_index = jax.random.randint(k2, (2, N_EDGES), 0, N_NODES, dtype=jnp.int32)
    # nn.Linear(in_dim, out_dim): weight [out_dim, in_dim], bias [out_dim]
    W = jax.random.normal(k3, (D_OUT, D_IN), dtype=jnp.float32) * (1.0 / np.sqrt(D_IN))
    b = jnp.zeros((D_OUT,), dtype=jnp.float32)
    return {"x": x, "edge_index": edge_index, "W": W, "b": b}


def reference(x, edge_index, W, b):
    row = edge_index[0]
    col = edge_index[1]
    # gather source-node features, scatter-add into destination rows
    gathered = jnp.take(x, col, axis=0)
    aggr = jnp.zeros_like(x).at[row].add(gathered)
    # linear + relu
    return jax.nn.relu(aggr @ W.T + b)

if __name__ == "__main__":
    import jax
    _d = setup_inputs()
    print(jax.jit(kernel)(*tuple(_d.values())))

</pallas_src>

<mosaic_0001>
#map = affine_map<(d0, d1) -> (0, 0)>
#map1 = affine_map<(d0, d1) -> (0)>
#map2 = affine_map<(d0, d1) -> (0, 0, 0, 0)>
module attributes {stable_mosaic.version = 14 : i64} {
  func.func @_sc_agg_body(%arg0: i32, %arg1: i32, %arg2: memref<128x10000xf32, #tpu.memory_space<hbm>>, %arg3: memref<320000xi32, #tpu.memory_space<hbm>>, %arg4: memref<16x79x8x128xf32, #tpu.memory_space<hbm>>, %arg5: memref<4x10000xf32, #tpu.memory_space<vmem>>, %arg6: memref<2x10000xi32, #tpu.memory_space<vmem>>, %arg7: memref<79x4x128xf32, #tpu.memory_space<vmem>>, %arg8: memref<6400xi32, #tpu.memory_space<vmem>>, %arg9: memref<6400xi32, #tpu.memory_space<vmem>>, %arg10: memref<!tpu.dma_semaphore, #tpu.memory_space<semaphore_mem>>, %arg11: memref<!tpu.dma_semaphore, #tpu.memory_space<semaphore_mem>>) attributes {dimension_semantics = [#tpu.dimension_semantics<core_parallel>, #tpu.dimension_semantics<subcore_parallel>], iteration_bounds = array<i64: 2, 16>, scalar_prefetch = 0 : i64, scratch_operands = 7 : i64, tpu.core_type = #tpu.core_type<sc_vector_subcore>, window_params = [{transform_indices = #map}, {transform_indices = #map1}, {transform_indices = #map2}]} {
    %mul3A = arith.constant 16 : i32
    %mul3A_0 = arith.muli %arg0, %mul3A : i32
    %add3A = arith.addi %mul3A_0, %arg1 : i32
    %mul3A_1 = arith.constant 4 : i32
    %mul3A_2 = arith.muli %add3A, %mul3A_1 : i32
    %dma_start3A = arith.constant 0 : i32
    %dma_start3A_3 = tpu.memref_slice %arg3[%dma_start3A] : memref<320000xi32, #tpu.memory_space<hbm>> -> memref<6400xi32, #tpu.memory_space<hbm>>
    %dma_start3A_4 = arith.constant 0 : i32
    %dma_start3A_5 = tpu.memref_slice %arg3[%dma_start3A_4] : memref<320000xi32, #tpu.memory_space<hbm>> -> memref<6400xi32, #tpu.memory_space<hbm>>
    tpu.enqueue_dma source(%dma_start3A_5 : memref<6400xi32, #tpu.memory_space<hbm>>) target(%arg8 : memref<6400xi32, #tpu.memory_space<vmem>>) target_semaphore(%arg10 : memref<!tpu.dma_semaphore, #tpu.memory_space<semaphore_mem>>)
    %dma_start3A_6 = arith.constant 6400 : i32
    %dma_start3A_7 = tpu.memref_slice %arg3[%dma_start3A_6] : memref<320000xi32, #tpu.memory_space<hbm>> -> memref<6400xi32, #tpu.memory_space<hbm>>
    %dma_start3A_8 = arith.constant 6400 : i32
    %dma_start3A_9 = tpu.memref_slice %arg3[%dma_start3A_8] : memref<320000xi32, #tpu.memory_space<hbm>> -> memref<6400xi32, #tpu.memory_space<hbm>>
    tpu.enqueue_dma source(%dma_start3A_9 : memref<6400xi32, #tpu.memory_space<hbm>>) target(%arg9 : memref<6400xi32, #tpu.memory_space<vmem>>) target_semaphore(%arg11 : memref<!tpu.dma_semaphore, #tpu.memory_space<semaphore_mem>>)
    "tpu.region"() ({
      %run_scoped3A = tpu.sem_alloc : memref<!tpu.dma_semaphore, #tpu.memory_space<semaphore_mem>>
      %dma_start3A_54 = arith.constant 0 : i32
      %dma_start3A_55 = tpu.memref_slice %arg2[%mul3A_2, %dma_start3A_54] : memref<128x10000xf32, #tpu.memory_space<hbm>> -> memref<4x10000xf32, #tpu.memory_space<hbm>>
      %dma_start3A_56 = arith.constant 0 : i32
      %dma_start3A_57 = tpu.memref_slice %arg2[%mul3A_2, %dma_start3A_56] : memref<128x10000xf32, #tpu.memory_space<hbm>> -> memref<4x10000xf32, #tpu.memory_space<hbm>>
      tpu.enqueue_dma source(%dma_start3A_57 : memref<4x10000xf32, #tpu.memory_space<hbm>>) target(%arg5 : memref<4x10000xf32, #tpu.memory_space<vmem>>) target_semaphore(%run_scoped3A : memref<!tpu.dma_semaphore, #tpu.memory_space<semaphore_mem>>)
      %dma_wait3A = arith.constant 0 : i32
      %dma_wait3A_58 = tpu.memref_slice %arg2[%mul3A_2, %dma_wait3A] : memref<128x10000xf32, #tpu.memory_space<hbm>> -> memref<4x10000xf32, #tpu.memory_space<hbm>>
      %dma_wait3A_59 = arith.constant 0 : i32
      %dma_wait3A_60 = tpu.memref_slice %arg2[%mul3A_2, %dma_wait3A_59] : memref<128x10000xf32, #tpu.memory_space<hbm>> -> memref<4x10000xf32, #tpu.memory_space<hbm>>
      tpu.wait_dma2 semaphore(%run_scoped3A : memref<!tpu.dma_semaphore, #tpu.memory_space<semaphore_mem>>) src(%dma_wait3A_60 : memref<4x10000xf32, #tpu.memory_space<hbm>>) dst(%arg5 : memref<4x10000xf32, #tpu.memory_space<vmem>>)
      tpu.yield
    }) : () -> ()
    %broadcast_in_dim3A = arith.constant 0.000000e+00 : f32
    %broadcast_in_dim3A_10 = vector.broadcast %broadcast_in_dim3A : f32 to vector<16xf32>
    %parallel_loop3A = arith.constant 0 : i32
    %parallel_loop3A_11 = arith.constant 632 : i32
    %parallel_loop3A_12 = arith.constant 1 : i32
    scf.for %parallel_loop3A_54 = %parallel_loop3A to %parallel_loop3A_11 step %parallel_loop3A_12  : i32 {
      %parallel_loop3A_55 = arith.constant 8 : i32
      %parallel_loop3A_56 = arith.divsi %parallel_loop3A_54, %parallel_loop3A_55 : i32
      %parallel_loop3A_57 = arith.constant 0 : i32
      %parallel_loop3A_58 = arith.cmpi sgt, %parallel_loop3A_54, %parallel_loop3A_57 : i32
      %parallel_loop3A_59 = arith.extui %parallel_loop3A_58 : i1 to i32
      %parallel_loop3A_60 = arith.constant 0 : i32
      %parallel_loop3A_61 = arith.cmpi slt, %parallel_loop3A_54, %parallel_loop3A_60 : i32
      %parallel_loop3A_62 = arith.extui %parallel_loop3A_61 : i1 to i32
      %parallel_loop3A_63 = arith.subi %parallel_loop3A_59, %parallel_loop3A_62 : i32
      %parallel_loop3A_64 = arith.constant 0 : i32
      %parallel_loop3A_65 = arith.cmpi sgt, %parallel_loop3A_55, %parallel_loop3A_64 : i32
      %parallel_loop3A_66 = arith.extui %parallel_loop3A_65 : i1 to i32
      %parallel_loop3A_67 = arith.constant 0 : i32
      %parallel_loop3A_68 = arith.cmpi slt, %parallel_loop3A_55, %parallel_loop3A_67 : i32
      %parallel_loop3A_69 = arith.extui %parallel_loop3A_68 : i1 to i32
      %parallel_loop3A_70 = arith.subi %parallel_loop3A_66, %parallel_loop3A_69 : i32
      %parallel_loop3A_71 = arith.cmpi ne, %parallel_loop3A_63, %parallel_loop3A_70 : i32
      %parallel_loop3A_72 = arith.remsi %parallel_loop3A_54, %parallel_loop3A_55 : i32
      %parallel_loop3A_73 = arith.constant 0 : i32
      %parallel_loop3A_74 = arith.cmpi ne, %parallel_loop3A_72, %parallel_loop3A_73 : i32
      %parallel_loop3A_75 = arith.andi %parallel_loop3A_71, %parallel_loop3A_74 : i1
      %parallel_loop3A_76 = arith.constant 1 : i32
      %parallel_loop3A_77 = arith.subi %parallel_loop3A_56, %parallel_loop3A_76 : i32
      %parallel_loop3A_78 = arith.select %parallel_loop3A_75, %parallel_loop3A_77, %parallel_loop3A_56 : i32
      %parallel_loop3A_79 = arith.constant 8 : i32
      %parallel_loop3A_80 = arith.constant 0 : i32
      %parallel_loop3A_81 = arith.cmpi eq, %parallel_loop3A_79, %parallel_loop3A_80 : i32
      %parallel_loop3A_82 = arith.constant 1 : i32
      %parallel_loop3A_83 = arith.select %parallel_loop3A_81, %parallel_loop3A_82, %parallel_loop3A_79 : i32
      %parallel_loop3A_84 = arith.remsi %parallel_loop3A_54, %parallel_loop3A_83 : i32
      %parallel_loop3A_85 = arith.constant 0 : i32
      %parallel_loop3A_86 = arith.cmpi ne, %parallel_loop3A_84, %parallel_loop3A_85 : i32
      %parallel_loop3A_87 = arith.constant 0 : i32
      %parallel_loop3A_88 = arith.cmpi slt, %parallel_loop3A_84, %parallel_loop3A_87 : i32
      %parallel_loop3A_89 = arith.constant 0 : i32
      %parallel_loop3A_90 = arith.cmpi slt, %parallel_loop3A_83, %parallel_loop3A_89 : i32
      %parallel_loop3A_91 = arith.xori %parallel_loop3A_88, %parallel_loop3A_90 : i1
      %parallel_loop3A_92 = arith.andi %parallel_loop3A_91, %parallel_loop3A_86 : i1
      %parallel_loop3A_93 = arith.addi %parallel_loop3A_84, %parallel_loop3A_83 : i32
      %parallel_loop3A_94 = arith.select %parallel_loop3A_92, %parallel_loop3A_93, %parallel_loop3A_84 : i32
      %parallel_loop3A_95 = arith.constant 16 : i32
      %parallel_loop3A_96 = arith.muli %parallel_loop3A_94, %parallel_loop3A_95 : i32
      %parallel_loop3A_97 = arith.constant 0 : i32
      %parallel_loop3A_98 = arith.index_cast %parallel_loop3A_78 : i32 to index
      %parallel_loop3A_99 = arith.index_cast %parallel_loop3A_97 : i32 to index
      %parallel_loop3A_100 = arith.index_cast %parallel_loop3A_96 : i32 to index
      %parallel_loop3A_101 = tpu.vector_load %arg7[%parallel_loop3A_98, %parallel_loop3A_99, %parallel_loop3A_100] {strides = array<i32>} : memref<79x4x128xf32, #tpu.memory_space<vmem>>, vector<16xf32>,
      tpu.vector_store %arg7[%parallel_loop3A_98, %parallel_loop3A_99, %parallel_loop3A_100], %broadcast_in_dim3A_10 {strides = array<i32>} : memref<79x4x128xf32, #tpu.memory_space<vmem>>, vector<16xf32>,
      %parallel_loop3A_102 = arith.constant 8 : i32
      %parallel_loop3A_103 = arith.divsi %parallel_loop3A_54, %parallel_loop3A_102 : i32
      %parallel_loop3A_104 = arith.constant 0 : i32
      %parallel_loop3A_105 = arith.cmpi sgt, %parallel_loop3A_54, %parallel_loop3A_104 : i32
      %parallel_loop3A_106 = arith.extui %parallel_loop3A_105 : i1 to i32
      %parallel_loop3A_107 = arith.constant 0 : i32
      %parallel_loop3A_108 = arith.cmpi slt, %parallel_loop3A_54, %parallel_loop3A_107 : i32
      %parallel_loop3A_109 = arith.extui %parallel_loop3A_108 : i1 to i32
      %parallel_loop3A_110 = arith.subi %parallel_loop3A_106, %parallel_loop3A_109 : i32
      %parallel_loop3A_111 = arith.constant 0 : i32
      %parallel_loop3A_112 = arith.cmpi sgt, %parallel_loop3A_102, %parallel_loop3A_111 : i32
      %parallel_loop3A_113 = arith.extui %parallel_loop3A_112 : i1 to i32
      %parallel_loop3A_114 = arith.constant 0 : i32
      %parallel_loop3A_115 = arith.cmpi slt, %parallel_loop3A_102, %parallel_loop3A_114 : i32
      %parallel_loop3A_116 = arith.extui %parallel_loop3A_115 : i1 to i32
      %parallel_loop3A_117 = arith.subi %parallel_loop3A_113, %parallel_loop3A_116 : i32
      %parallel_loop3A_118 = arith.cmpi ne, %parallel_loop3A_110, %parallel_loop3A_117 : i32
      %parallel_loop3A_119 = arith.remsi %parallel_loop3A_54, %parallel_loop3A_102 : i32
      %parallel_loop3A_120 = arith.constant 0 : i32
      %parallel_loop3A_121 = arith.cmpi ne, %parallel_loop3A_119, %parallel_loop3A_120 : i32
      %parallel_loop3A_122 = arith.andi %parallel_loop3A_118, %parallel_loop3A_121 : i1
      %parallel_loop3A_123 = arith.constant 1 : i32
      %parallel_loop3A_124 = arith.subi %parallel_loop3A_103, %parallel_loop3A_123 : i32
      %parallel_loop3A_125 = arith.select %parallel_loop3A_122, %parallel_loop3A_124, %parallel_loop3A_103 : i32
      %parallel_loop3A_126 = arith.constant 8 : i32
      %parallel_loop3A_127 = arith.constant 0 : i32
      %parallel_loop3A_128 = arith.cmpi eq, %parallel_loop3A_126, %parallel_loop3A_127 : i32
      %parallel_loop3A_129 = arith.constant 1 : i32
      %parallel_loop3A_130 = arith.select %parallel_loop3A_128, %parallel_loop3A_129, %parallel_loop3A_126 : i32
      %parallel_loop3A_131 = arith.remsi %parallel_loop3A_54, %parallel_loop3A_130 : i32
      %parallel_loop3A_132 = arith.constant 0 : i32
      %parallel_loop3A_133 = arith.cmpi ne, %parallel_loop3A_131, %parallel_loop3A_132 : i32
      %parallel_loop3A_134 = arith.constant 0 : i32
      %parallel_loop3A_135 = arith.cmpi slt, %parallel_loop3A_131, %parallel_loop3A_134 : i32
      %parallel_loop3A_136 = arith.constant 0 : i32
      %parallel_loop3A_137 = arith.cmpi slt, %parallel_loop3A_130, %parallel_loop3A_136 : i32
      %parallel_loop3A_138 = arith.xori %parallel_loop3A_135, %parallel_loop3A_137 : i1
      %parallel_loop3A_139 = arith.andi %parallel_loop3A_138, %parallel_loop3A_133 : i1
      %parallel_loop3A_140 = arith.addi %parallel_loop3A_131, %parallel_loop3A_130 : i32
      %parallel_loop3A_141 = arith.select %parallel_loop3A_139, %parallel_loop3A_140, %parallel_loop3A_131 : i32
      %parallel_loop3A_142 = arith.constant 16 : i32
      %parallel_loop3A_143 = arith.muli %parallel_loop3A_141, %parallel_loop3A_142 : i32
      %parallel_loop3A_144 = arith.constant 1 : i32
      %parallel_loop3A_145 = arith.index_cast %parallel_loop3A_125 : i32 to index
      %parallel_loop3A_146 = arith.index_cast %parallel_loop3A_144 : i32 to index
      %parallel_loop3A_147 = arith.index_cast %parallel_loop3A_143 : i32 to index
      %parallel_loop3A_148 = tpu.vector_load %arg7[%parallel_loop3A_145, %parallel_loop3A_146, %parallel_loop3A_147] {strides = array<i32>} : memref<79x4x128xf32, #tpu.memory_space<vmem>>, vector<16xf32>,
      tpu.vector_store %arg7[%parallel_loop3A_145, %parallel_loop3A_146, %parallel_loop3A_147], %broadcast_in_dim3A_10 {strides = array<i32>} : memref<79x4x128xf32, #tpu.memory_space<vmem>>, vector<16xf32>,
      %parallel_loop3A_149 = arith.constant 8 : i32
      %parallel_loop3A_150 = arith.divsi %parallel_loop3A_54, %parallel_loop3A_149 : i32
      %parallel_loop3A_151 = arith.constant 0 : i32
      %parallel_loop3A_152 = arith.cmpi sgt, %parallel_loop3A_54, %parallel_loop3A_151 : i32
      %parallel_loop3A_153 = arith.extui %parallel_loop3A_152 : i1 to i32
      %parallel_loop3A_154 = arith.constant 0 : i32
      %parallel_loop3A_155 = arith.cmpi slt, %parallel_loop3A_54, %parallel_loop3A_154 : i32
      %parallel_loop3A_156 = arith.extui %parallel_loop3A_155 : i1 to i32
      %parallel_loop3A_157 = arith.subi %parallel_loop3A_153, %parallel_loop3A_156 : i32
      %parallel_loop3A_158 = arith.constant 0 : i32
      %parallel_loop3A_159 = arith.cmpi sgt, %parallel_loop3A_149, %parallel_loop3A_158 : i32
      %parallel_loop3A_160 = arith.extui %parallel_loop3A_159 : i1 to i32
      %parallel_loop3A_161 = arith.constant 0 : i32
      %parallel_loop3A_162 = arith.cmpi slt, %parallel_loop3A_149, %parallel_loop3A_161 : i32
      %parallel_loop3A_163 = arith.extui %parallel_loop3A_162 : i1 to i32
      %parallel_loop3A_164 = arith.subi %parallel_loop3A_160, %parallel_loop3A_163 : i32
      %parallel_loop3A_165 = arith.cmpi ne, %parallel_loop3A_157, %parallel_loop3A_164 : i32
      %parallel_loop3A_166 = arith.remsi %parallel_loop3A_54, %parallel_loop3A_149 : i32
      %parallel_loop3A_167 = arith.constant 0 : i32
      %parallel_loop3A_168 = arith.cmpi ne, %parallel_loop3A_166, %parallel_loop3A_167 : i32
      %parallel_loop3A_169 = arith.andi %parallel_loop3A_165, %parallel_loop3A_168 : i1
      %parallel_loop3A_170 = arith.constant 1 : i32
      %parallel_loop3A_171 = arith.subi %parallel_loop3A_150, %parallel_loop3A_170 : i32
      %parallel_loop3A_172 = arith.select %parallel_loop3A_169, %parallel_loop3A_171, %parallel_loop3A_150 : i32
      %parallel_loop3A_173 = arith.constant 8 : i32
      %parallel_loop3A_174 = arith.constant 0 : i32
      %parallel_loop3A_175 = arith.cmpi eq, %parallel_loop3A_173, %parallel_loop3A_174 : i32
      %parallel_loop3A_176 = arith.constant 1 : i32
      %parallel_loop3A_177 = arith.select %parallel_loop3A_175, %parallel_loop3A_176, %parallel_loop3A_173 : i32
      %parallel_loop3A_178 = arith.remsi %parallel_loop3A_54, %parallel_loop3A_177 : i32
      %parallel_loop3A_179 = arith.constant 0 : i32
      %parallel_loop3A_180 = arith.cmpi ne, %parallel_loop3A_178, %parallel_loop3A_179 : i32
      %parallel_loop3A_181 = arith.constant 0 : i32
      %parallel_loop3A_182 = arith.cmpi slt, %parallel_loop3A_178, %parallel_loop3A_181 : i32
      %parallel_loop3A_183 = arith.constant 0 : i32
      %parallel_loop3A_184 = arith.cmpi slt, %parallel_loop3A_177, %parallel_loop3A_183 : i32
      %parallel_loop3A_185 = arith.xori %parallel_loop3A_182, %parallel_loop3A_184 : i1
      %parallel_loop3A_186 = arith.andi %parallel_loop3A_185, %parallel_loop3A_180 : i1
      %parallel_loop3A_187 = arith.addi %parallel_loop3A_178, %parallel_loop3A_177 : i32
      %parallel_loop3A_188 = arith.select %parallel_loop3A_186, %parallel_loop3A_187, %parallel_loop3A_178 : i32
      %parallel_loop3A_189 = arith.constant 16 : i32
      %parallel_loop3A_190 = arith.muli %parallel_loop3A_188, %parallel_loop3A_189 : i32
      %parallel_loop3A_191 = arith.constant 2 : i32
      %parallel_loop3A_192 = arith.index_cast %parallel_loop3A_172 : i32 to index
      %parallel_loop3A_193 = arith.index_cast %parallel_loop3A_191 : i32 to index
      %parallel_loop3A_194 = arith.index_cast %parallel_loop3A_190 : i32 to index
      %parallel_loop3A_195 = tpu.vector_load %arg7[%parallel_loop3A_192, %parallel_loop3A_193, %parallel_loop3A_194] {strides = array<i32>} : memref<79x4x128xf32, #tpu.memory_space<vmem>>, vector<16xf32>,
      tpu.vector_store %arg7[%parallel_loop3A_192, %parallel_loop3A_193, %parallel_loop3A_194], %broadcast_in_dim3A_10 {strides = array<i32>} : memref<79x4x128xf32, #tpu.memory_space<vmem>>, vector<16xf32>,
      %parallel_loop3A_196 = arith.constant 8 : i32
      %parallel_loop3A_197 = arith.divsi %parallel_loop3A_54, %parallel_loop3A_196 : i32
      %parallel_loop3A_198 = arith.constant 0 : i32
      %parallel_loop3A_199 = arith.cmpi sgt, %parallel_loop3A_54, %parallel_loop3A_198 : i32
      %parallel_loop3A_200 = arith.extui %parallel_loop3A_199 : i1 to i32
      %parallel_loop3A_201 = arith.constant 0 : i32
      %parallel_loop3A_202 = arith.cmpi slt, %parallel_loop3A_54, %parallel_loop3A_201 : i32
      %parallel_loop3A_203 = arith.extui %parallel_loop3A_202 : i1 to i32
      %parallel_loop3A_204 = arith.subi %parallel_loop3A_200, %parallel_loop3A_203 : i32
      %parallel_loop3A_205 = arith.constant 0 : i32
      %parallel_loop3A_206 = arith.cmpi sgt, %parallel_loop3A_196, %parallel_loop3A_205 : i32
      %parallel_loop3A_207 = arith.extui %parallel_loop3A_206 : i1 to i32
      %parallel_loop3A_208 = arith.constant 0 : i32
      %parallel_loop3A_209 = arith.cmpi slt, %parallel_loop3A_196, %parallel_loop3A_208 : i32
      %parallel_loop3A_210 = arith.extui %parallel_loop3A_209 : i1 to i32
      %parallel_loop3A_211 = arith.subi %parallel_loop3A_207, %parallel_loop3A_210 : i32
      %parallel_loop3A_212 = arith.cmpi ne, %parallel_loop3A_204, %parallel_loop3A_211 : i32
      %parallel_loop3A_213 = arith.remsi %parallel_loop3A_54, %parallel_loop3A_196 : i32
      %parallel_loop3A_214 = arith.constant 0 : i32
      %parallel_loop3A_215 = arith.cmpi ne, %parallel_loop3A_213, %parallel_loop3A_214 : i32
      %parallel_loop3A_216 = arith.andi %parallel_loop3A_212, %parallel_loop3A_215 : i1
      %parallel_loop3A_217 = arith.constant 1 : i32
      %parallel_loop3A_218 = arith.subi %parallel_loop3A_197, %parallel_loop3A_217 : i32
      %parallel_loop3A_219 = arith.select %parallel_loop3A_216, %parallel_loop3A_218, %parallel_loop3A_197 : i32
      %parallel_loop3A_220 = arith.constant 8 : i32
      %parallel_loop3A_221 = arith.constant 0 : i32
      %parallel_loop3A_222 = arith.cmpi eq, %parallel_loop3A_220, %parallel_loop3A_221 : i32
      %parallel_loop3A_223 = arith.constant 1 : i32
      %parallel_loop3A_224 = arith.select %parallel_loop3A_222, %parallel_loop3A_223, %parallel_loop3A_220 : i32
      %parallel_loop3A_225 = arith.remsi %parallel_loop3A_54, %parallel_loop3A_224 : i32
      %parallel_loop3A_226 = arith.constant 0 : i32
      %parallel_loop3A_227 = arith.cmpi ne, %parallel_loop3A_225, %parallel_loop3A_226 : i32
      %parallel_loop3A_228 = arith.constant 0 : i32
      %parallel_loop3A_229 = arith.cmpi slt, %parallel_loop3A_225, %parallel_loop3A_228 : i32
      %parallel_loop3A_230 = arith.constant 0 : i32
      %parallel_loop3A_231 = arith.cmpi slt, %parallel_loop3A_224, %parallel_loop3A_230 : i32
      %parallel_loop3A_232 = arith.xori %parallel_loop3A_229, %parallel_loop3A_231 : i1
      %parallel_loop3A_233 = arith.andi %parallel_loop3A_232, %parallel_loop3A_227 : i1
      %parallel_loop3A_234 = arith.addi %parallel_loop3A_225, %parallel_loop3A_224 : i32
      %parallel_loop3A_235 = arith.select %parallel_loop3A_233, %parallel_loop3A_234, %parallel_loop3A_225 : i32
      %parallel_loop3A_236 = arith.constant 16 : i32
      %parallel_loop3A_237 = arith.muli %parallel_loop3A_235, %parallel_loop3A_236 : i32
      %parallel_loop3A_238 = arith.constant 3 : i32
      %parallel_loop3A_239 = arith.index_cast %parallel_loop3A_219 : i32 to index
      %parallel_loop3A_240 = arith.index_cast %parallel_loop3A_238 : i32 to index
      %parallel_loop3A_241 = arith.index_cast %parallel_loop3A_237 : i32 to index
      %parallel_loop3A_242 = tpu.vector_load %arg7[%parallel_loop3A_239, %parallel_loop3A_240, %parallel_loop3A_241] {strides = array<i32>} : memref<79x4x128xf32, #tpu.memory_space<vmem>>, vector<16xf32>,
      tpu.vector_store %arg7[%parallel_loop3A_239, %parallel_loop3A_240, %parallel_loop3A_241], %broadcast_in_dim3A_10 {strides = array<i32>} : memref<79x4x128xf32, #tpu.memory_space<vmem>>, vector<16xf32>,
    } {sc.loop_unroll_factor = 8 : i64, sc.parallel_access}
    %parallel_loop3A_13 = arith.constant 0 : i32
    %parallel_loop3A_14 = arith.constant 625 : i32
    %parallel_loop3A_15 = arith.constant 1 : i32
    scf.for %parallel_loop3A_54 = %parallel_loop3A_13 to %parallel_loop3A_14 step %parallel_loop3A_15  : i32 {
      %parallel_loop3A_55 = arith.constant 16 : i32
      %parallel_loop3A_56 = arith.muli %parallel_loop3A_54, %parallel_loop3A_55 : i32
      %parallel_loop3A_57 = arith.constant 0 : i32
      %parallel_loop3A_58 = arith.index_cast %parallel_loop3A_57 : i32 to index
      %parallel_loop3A_59 = arith.index_cast %parallel_loop3A_56 : i32 to index
      %parallel_loop3A_60 = tpu.vector_load %arg5[%parallel_loop3A_58, %parallel_loop3A_59] {strides = array<i32>} : memref<4x10000xf32, #tpu.memory_space<vmem>>, vector<16xf32>,
      %parallel_loop3A_61 = arith.constant 16 : i32
      %parallel_loop3A_62 = arith.muli %parallel_loop3A_54, %parallel_loop3A_61 : i32
      %parallel_loop3A_63 = arith.constant 1 : i32
      %parallel_loop3A_64 = arith.index_cast %parallel_loop3A_63 : i32 to index
      %parallel_loop3A_65 = arith.index_cast %parallel_loop3A_62 : i32 to index
      %parallel_loop3A_66 = tpu.vector_load %arg5[%parallel_loop3A_64, %parallel_loop3A_65] {strides = array<i32>} : memref<4x10000xf32, #tpu.memory_space<vmem>>, vector<16xf32>,
      %parallel_loop3A_67 = tpu.pack_subelements %parallel_loop3A_60, %parallel_loop3A_66 {pack_format = #tpu.pack_format<interleaved>, positions = array<i32: 0, 1>} : vector<16xf32>, vector<16xf32> -> vector<32xbf16>
      %parallel_loop3A_68 = vector.bitcast %parallel_loop3A_67 : vector<32xbf16> to vector<16xi32>
      %parallel_loop3A_69 = arith.constant 16 : i32
      %parallel_loop3A_70 = arith.muli %parallel_loop3A_54, %parallel_loop3A_69 : i32
      %parallel_loop3A_71 = arith.constant 0 : i32
      %parallel_loop3A_72 = arith.index_cast %parallel_loop3A_71 : i32 to index
      %parallel_loop3A_73 = arith.index_cast %parallel_loop3A_70 : i32 to index
      %parallel_loop3A_74 = tpu.vector_load %arg6[%parallel_loop3A_72, %parallel_loop3A_73] {strides = array<i32>} : memref<2x10000xi32, #tpu.memory_space<vmem>>, vector<16xi32>,
      tpu.vector_store %arg6[%parallel_loop3A_72, %parallel_loop3A_73], %parallel_loop3A_68 {strides = array<i32>} : memref<2x10000xi32, #tpu.memory_space<vmem>>, vector<16xi32>,
      %parallel_loop3A_75 = arith.constant 16 : i32
      %parallel_loop3A_76 = arith.muli %parallel_loop3A_54, %parallel_loop3A_75 : i32
      %parallel_loop3A_77 = arith.constant 2 : i32
      %parallel_loop3A_78 = arith.index_cast %parallel_loop3A_77 : i32 to index
      %parallel_loop3A_79 = arith.index_cast %parallel_loop3A_76 : i32 to index
      %parallel_loop3A_80 = tpu.vector_load %arg5[%parallel_loop3A_78, %parallel_loop3A_79] {strides = array<i32>} : memref<4x10000xf32, #tpu.memory_space<vmem>>, vector<16xf32>,
      %parallel_loop3A_81 = arith.constant 16 : i32
      %parallel_loop3A_82 = arith.muli %parallel_loop3A_54, %parallel_loop3A_81 : i32
      %parallel_loop3A_83 = arith.constant 3 : i32
      %parallel_loop3A_84 = arith.index_cast %parallel_loop3A_83 : i32 to index
      %parallel_loop3A_85 = arith.index_cast %parallel_loop3A_82 : i32 to index
      %parallel_loop3A_86 = tpu.vector_load %arg5[%parallel_loop3A_84, %parallel_loop3A_85] {strides = array<i32>} : memref<4x10000xf32, #tpu.memory_space<vmem>>, vector<16xf32>,
      %parallel_loop3A_87 = tpu.pack_subelements %parallel_loop3A_80, %parallel_loop3A_86 {pack_format = #tpu.pack_format<interleaved>, positions = array<i32: 0, 1>} : vector<16xf32>, vector<16xf32> -> vector<32xbf16>
      %parallel_loop3A_88 = vector.bitcast %parallel_loop3A_87 : vector<32xbf16> to vector<16xi32>
      %parallel_loop3A_89 = arith.constant 16 : i32
      %parallel_loop3A_90 = arith.muli %parallel_loop3A_54, %parallel_loop3A_89 : i32
      %parallel_loop3A_91 = arith.constant 1 : i32
      %parallel_loop3A_92 = arith.index_cast %parallel_loop3A_91 : i32 to index
      %parallel_loop3A_93 = arith.index_cast %parallel_loop3A_90 : i32 to index
      %parallel_loop3A_94 = tpu.vector_load %arg6[%parallel_loop3A_92, %parallel_loop3A_93] {strides = array<i32>} : memref<2x10000xi32, #tpu.memory_space<vmem>>, vector<16xi32>,
      tpu.vector_store %arg6[%parallel_loop3A_92, %parallel_loop3A_93], %parallel_loop3A_88 {strides = array<i32>} : memref<2x10000xi32, #tpu.memory_space<vmem>>, vector<16xi32>,
    } {sc.loop_unroll_factor = 8 : i64, sc.parallel_access}
    %scan3A = arith.constant 0 : i32
    %scan3A_16 = arith.constant 0 : i32
    %scan3A_17 = arith.constant 25 : i32
    %scan3A_18 = arith.addi %scan3A_16, %scan3A_17 : i32
    %scan3A_19 = arith.constant 1 : i32
    %scan3A_20 = scf.for %scan3A_54 = %scan3A_16 to %scan3A_18 step %scan3A_19 iter_args(%scan3A_55 = %scan3A) -> (i32)  : i32 {
      %mul3A_56 = arith.constant 2 : i32
      %mul3A_57 = arith.muli %scan3A_54, %mul3A_56 : i32
      %add3A_58 = arith.constant 0 : i32
      %add3A_59 = arith.addi %mul3A_57, %add3A_58 : i32
      %dma_wait3A = arith.constant 0 : i32
      %dma_wait3A_60 = tpu.memref_slice %arg3[%dma_wait3A] : memref<320000xi32, #tpu.memory_space<hbm>> -> memref<6400xi32, #tpu.memory_space<hbm>>
      %dma_wait3A_61 = arith.constant 0 : i32
      %dma_wait3A_62 = tpu.memref_slice %arg3[%dma_wait3A_61] : memref<320000xi32, #tpu.memory_space<hbm>> -> memref<6400xi32, #tpu.memory_space<hbm>>
      tpu.wait_dma2 semaphore(%arg10 : memref<!tpu.dma_semaphore, #tpu.memory_space<semaphore_mem>>) src(%dma_wait3A_62 : memref<6400xi32, #tpu.memory_space<hbm>>) dst(%arg8 : memref<6400xi32, #tpu.memory_space<vmem>>)
      %parallel_loop3A_63 = arith.constant 0 : i32
      %parallel_loop3A_64 = arith.constant 400 : i32
      %parallel_loop3A_65 = arith.constant 1 : i32
      scf.for %parallel_loop3A_90 = %parallel_loop3A_63 to %parallel_loop3A_64 step %parallel_loop3A_65  : i32 {
        %parallel_loop3A_91 = arith.constant 16 : i32
        %parallel_loop3A_92 = arith.muli %parallel_loop3A_90, %parallel_loop3A_91 : i32
        %parallel_loop3A_93 = arith.index_cast %parallel_loop3A_92 : i32 to index
        %parallel_loop3A_94 = tpu.vector_load %arg8[%parallel_loop3A_93] {strides = array<i32>} : memref<6400xi32, #tpu.memory_space<vmem>>, vector<16xi32>,
        %parallel_loop3A_95 = vector.bitcast %parallel_loop3A_94 : vector<16xi32> to vector<32xi16>
        %parallel_loop3A_96 = tpu.unpack_subelements %parallel_loop3A_95, 0 {pack_format = #tpu.pack_format<interleaved>} : vector<32xi16> -> vector<16xi32>
        %parallel_loop3A_97 = tpu.unpack_subelements %parallel_loop3A_95, 1 {pack_format = #tpu.pack_format<interleaved>} : vector<32xi16> -> vector<16xi32>
        %parallel_loop3A_98 = arith.constant 7 : i32
        %parallel_loop3A_99 = vector.broadcast %parallel_loop3A_98 : i32 to vector<16xi32>
        %parallel_loop3A_100 = arith.shrsi %parallel_loop3A_97, %parallel_loop3A_99 : vector<16xi32>
        %parallel_loop3A_101 = arith.constant 127 : i32
        %parallel_loop3A_102 = vector.broadcast %parallel_loop3A_101 : i32 to vector<16xi32>
        %parallel_loop3A_103 = arith.andi %parallel_loop3A_97, %parallel_loop3A_102 : vector<16xi32>
        %parallel_loop3A_104 = arith.constant 0 : i32
        %parallel_loop3A_105 = vector.broadcast %parallel_loop3A_104 : i32 to vector<16xi32>
        %parallel_loop3A_106 = tpu.vector_load_idx %arg6[%parallel_loop3A_105, %parallel_loop3A_96] : memref<2x10000xi32, #tpu.memory_space<vmem>>[vector<16xi32>, vector<16xi32>], vector<16xi32>,
        %parallel_loop3A_107 = vector.bitcast %parallel_loop3A_106 : vector<16xi32> to vector<32xbf16>
        %parallel_loop3A_108 = tpu.unpack_subelements %parallel_loop3A_107, 0 {pack_format = #tpu.pack_format<interleaved>} : vector<32xbf16> -> vector<16xf32>
        %parallel_loop3A_109 = tpu.unpack_subelements %parallel_loop3A_107, 1 {pack_format = #tpu.pack_format<interleaved>} : vector<32xbf16> -> vector<16xf32>
        %parallel_loop3A_110 = arith.constant 0 : i32
        %parallel_loop3A_111 = vector.broadcast %parallel_loop3A_110 : i32 to vector<16xi32>
        %parallel_loop3A_112 = arith.constant 1 : i32
        %parallel_loop3A_113 = vector.broadcast %parallel_loop3A_112 : i32 to vector<16xi32>
        tpu.vector_store_idx %arg7[%parallel_loop3A_100, %parallel_loop3A_111, %parallel_loop3A_103], %parallel_loop3A_108 {add = true} : memref<79x4x128xf32, #tpu.memory_space<vmem>>[vector<16xi32>, vector<16xi32>, vector<16xi32>], vector<16xf32>,
        tpu.vector_store_idx %arg7[%parallel_loop3A_100, %parallel_loop3A_113, %parallel_loop3A_103], %parallel_loop3A_109 {add = true} : memref<79x4x128xf32, #tpu.memory_space<vmem>>[vector<16xi32>, vector<16xi32>, vector<16xi32>], vector<16xf32>,
        %parallel_loop3A_114 = arith.constant 1 : i32
        %parallel_loop3A_115 = vector.broadcast %parallel_loop3A_114 : i32 to vector<16xi32>
        %parallel_loop3A_116 = tpu.vector_load_idx %arg6[%parallel_loop3A_115, %parallel_loop3A_96] : memref<2x10000xi32, #tpu.memory_space<vmem>>[vector<16xi32>, vector<16xi32>], vector<16xi32>,
        %parallel_loop3A_117 = vector.bitcast %parallel_loop3A_116 : vector<16xi32> to vector<32xbf16>
        %parallel_loop3A_118 = tpu.unpack_subelements %parallel_loop3A_117, 0 {pack_format = #tpu.pack_format<interleaved>} : vector<32xbf16> -> vector<16xf32>
        %parallel_loop3A_119 = tpu.unpack_subelements %parallel_loop3A_117, 1 {pack_format = #tpu.pack_format<interleaved>} : vector<32xbf16> -> vector<16xf32>
        %parallel_loop3A_120 = arith.constant 2 : i32
        %parallel_loop3A_121 = vector.broadcast %parallel_loop3A_120 : i32 to vector<16xi32>
        %parallel_loop3A_122 = arith.constant 3 : i32
        %parallel_loop3A_123 = vector.broadcast %parallel_loop3A_122 : i32 to vector<16xi32>
        tpu.vector_store_idx %arg7[%parallel_loop3A_100, %parallel_loop3A_121, %parallel_loop3A_103], %parallel_loop3A_118 {add = true} : memref<79x4x128xf32, #tpu.memory_space<vmem>>[vector<16xi32>, vector<16xi32>, vector<16xi32>], vector<16xf32>,
        tpu.vector_store_idx %arg7[%parallel_loop3A_100, %parallel_loop3A_123, %parallel_loop3A_103], %parallel_loop3A_119 {add = true} : memref<79x4x128xf32, #tpu.memory_space<vmem>>[vector<16xi32>, vector<16xi32>, vector<16xi32>], vector<16xf32>,
      } {sc.loop_unroll_factor = 8 : i64, sc.parallel_access}
      %add3A_66 = arith.constant 2 : i32
      %add3A_67 = arith.addi %add3A_59, %add3A_66 : i32
      %lt3A_68 = arith.constant 50 : i32
      %lt3A_69 = arith.cmpi slt, %add3A_67, %lt3A_68 : i32
      %convert_element_type3A = arith.extui %lt3A_69 : i1 to i32
      %cond3A = arith.constant 0 : i32
      %cond3A_70 = arith.cmpi ne, %convert_element_type3A, %cond3A : i32
      scf.if %cond3A_70 {
        %add3A_90 = arith.constant 2 : i32
        %add3A_91 = arith.addi %add3A_59, %add3A_90 : i32
        %mul3A_92 = arith.constant 6400 : i32
        %mul3A_93 = arith.muli %add3A_91, %mul3A_92 : i32
        %dma_start3A_94 = tpu.memref_slice %arg3[%mul3A_93] : memref<320000xi32, #tpu.memory_space<hbm>> -> memref<6400xi32, #tpu.memory_space<hbm>>
        %dma_start3A_95 = tpu.memref_slice %arg3[%mul3A_93] : memref<320000xi32, #tpu.memory_space<hbm>> -> memref<6400xi32, #tpu.memory_space<hbm>>
        tpu.enqueue_dma source(%dma_start3A_95 : memref<6400xi32, #tpu.memory_space<hbm>>) target(%arg8 : memref<6400xi32, #tpu.memory_space<vmem>>) target_semaphore(%arg10 : memref<!tpu.dma_semaphore, #tpu.memory_space<semaphore_mem>>)
      } else {
      }
      %mul3A_71 = arith.constant 2 : i32
      %mul3A_72 = arith.muli %scan3A_54, %mul3A_71 : i32
      %add3A_73 = arith.constant 1 : i32
      %add3A_74 = arith.addi %mul3A_72, %add3A_73 : i32
      %dma_wait3A_75 = arith.constant 0 : i32
      %dma_wait3A_76 = tpu.memref_slice %arg3[%dma_wait3A_75] : memref<320000xi32, #tpu.memory_space<hbm>> -> memref<6400xi32, #tpu.memory_space<hbm>>
      %dma_wait3A_77 = arith.constant 0 : i32
      %dma_wait3A_78 = tpu.memref_slice %arg3[%dma_wait3A_77] : memref<320000xi32, #tpu.memory_space<hbm>> -> memref<6400xi32, #tpu.memory_space<hbm>>
      tpu.wait_dma2 semaphore(%arg11 : memref<!tpu.dma_semaphore, #tpu.memory_space<semaphore_mem>>) src(%dma_wait3A_78 : memref<6400xi32, #tpu.memory_space<hbm>>) dst(%arg9 : memref<6400xi32, #tpu.memory_space<vmem>>)
      %parallel_loop3A_79 = arith.constant 0 : i32
      %parallel_loop3A_80 = arith.constant 400 : i32
      %parallel_loop3A_81 = arith.constant 1 : i32
      scf.for %parallel_loop3A_90 = %parallel_loop3A_79 to %parallel_loop3A_80 step %parallel_loop3A_81  : i32 {
        %parallel_loop3A_91 = arith.constant 16 : i32
        %parallel_loop3A_92 = arith.muli %parallel_loop3A_90, %parallel_loop3A_91 : i32
        %parallel_loop3A_93 = arith.index_cast %parallel_loop3A_92 : i32 to index
        %parallel_loop3A_94 = tpu.vector_load %arg9[%parallel_loop3A_93] {strides = array<i32>} : memref<6400xi32, #tpu.memory_space<vmem>>, vector<16xi32>,
        %parallel_loop3A_95 = vector.bitcast %parallel_loop3A_94 : vector<16xi32> to vector<32xi16>
        %parallel_loop3A_96 = tpu.unpack_subelements %parallel_loop3A_95, 0 {pack_format = #tpu.pack_format<interleaved>} : vector<32xi16> -> vector<16xi32>
        %parallel_loop3A_97 = tpu.unpack_subelements %parallel_loop3A_95, 1 {pack_format = #tpu.pack_format<interleaved>} : vector<32xi16> -> vector<16xi32>
        %parallel_loop3A_98 = arith.constant 7 : i32
        %parallel_loop3A_99 = vector.broadcast %parallel_loop3A_98 : i32 to vector<16xi32>
        %parallel_loop3A_100 = arith.shrsi %parallel_loop3A_97, %parallel_loop3A_99 : vector<16xi32>
        %parallel_loop3A_101 = arith.constant 127 : i32
        %parallel_loop3A_102 = vector.broadcast %parallel_loop3A_101 : i32 to vector<16xi32>
        %parallel_loop3A_103 = arith.andi %parallel_loop3A_97, %parallel_loop3A_102 : vector<16xi32>
        %parallel_loop3A_104 = arith.constant 0 : i32
        %parallel_loop3A_105 = vector.broadcast %parallel_loop3A_104 : i32 to vector<16xi32>
        %parallel_loop3A_106 = tpu.vector_load_idx %arg6[%parallel_loop3A_105, %parallel_loop3A_96] : memref<2x10000xi32, #tpu.memory_space<vmem>>[vector<16xi32>, vector<16xi32>], vector<16xi32>,
        %parallel_loop3A_107 = vector.bitcast %parallel_loop3A_106 : vector<16xi32> to vector<32xbf16>
        %parallel_loop3A_108 = tpu.unpack_subelements %parallel_loop3A_107, 0 {pack_format = #tpu.pack_format<interleaved>} : vector<32xbf16> -> vector<16xf32>
        %parallel_loop3A_109 = tpu.unpack_subelements %parallel_loop3A_107, 1 {pack_format = #tpu.pack_format<interleaved>} : vector<32xbf16> -> vector<16xf32>
        %parallel_loop3A_110 = arith.constant 0 : i32
        %parallel_loop3A_111 = vector.broadcast %parallel_loop3A_110 : i32 to vector<16xi32>
        %parallel_loop3A_112 = arith.constant 1 : i32
        %parallel_loop3A_113 = vector.broadcast %parallel_loop3A_112 : i32 to vector<16xi32>
        tpu.vector_store_idx %arg7[%parallel_loop3A_100, %parallel_loop3A_111, %parallel_loop3A_103], %parallel_loop3A_108 {add = true} : memref<79x4x128xf32, #tpu.memory_space<vmem>>[vector<16xi32>, vector<16xi32>, vector<16xi32>], vector<16xf32>,
        tpu.vector_store_idx %arg7[%parallel_loop3A_100, %parallel_loop3A_113, %parallel_loop3A_103], %parallel_loop3A_109 {add = true} : memref<79x4x128xf32, #tpu.memory_space<vmem>>[vector<16xi32>, vector<16xi32>, vector<16xi32>], vector<16xf32>,
        %parallel_loop3A_114 = arith.constant 1 : i32
        %parallel_loop3A_115 = vector.broadcast %parallel_loop3A_114 : i32 to vector<16xi32>
        %parallel_loop3A_116 = tpu.vector_load_idx %arg6[%parallel_loop3A_115, %parallel_loop3A_96] : memref<2x10000xi32, #tpu.memory_space<vmem>>[vector<16xi32>, vector<16xi32>], vector<16xi32>,
        %parallel_loop3A_117 = vector.bitcast %parallel_loop3A_116 : vector<16xi32> to vector<32xbf16>
        %parallel_loop3A_118 = tpu.unpack_subelements %parallel_loop3A_117, 0 {pack_format = #tpu.pack_format<interleaved>} : vector<32xbf16> -> vector<16xf32>
        %parallel_loop3A_119 = tpu.unpack_subelements %parallel_loop3A_117, 1 {pack_format = #tpu.pack_format<interleaved>} : vector<32xbf16> -> vector<16xf32>
        %parallel_loop3A_120 = arith.constant 2 : i32
        %parallel_loop3A_121 = vector.broadcast %parallel_loop3A_120 : i32 to vector<16xi32>
        %parallel_loop3A_122 = arith.constant 3 : i32
        %parallel_loop3A_123 = vector.broadcast %parallel_loop3A_122 : i32 to vector<16xi32>
        tpu.vector_store_idx %arg7[%parallel_loop3A_100, %parallel_loop3A_121, %parallel_loop3A_103], %parallel_loop3A_118 {add = true} : memref<79x4x128xf32, #tpu.memory_space<vmem>>[vector<16xi32>, vector<16xi32>, vector<16xi32>], vector<16xf32>,
        tpu.vector_store_idx %arg7[%parallel_loop3A_100, %parallel_loop3A_123, %parallel_loop3A_103], %parallel_loop3A_119 {add = true} : memref<79x4x128xf32, #tpu.memory_space<vmem>>[vector<16xi32>, vector<16xi32>, vector<16xi32>], vector<16xf32>,
      } {sc.loop_unroll_factor = 8 : i64, sc.parallel_access}
      %add3A_82 = arith.constant 2 : i32
      %add3A_83 = arith.addi %add3A_74, %add3A_82 : i32
      %lt3A_84 = arith.constant 50 : i32
      %lt3A_85 = arith.cmpi slt, %add3A_83, %lt3A_84 : i32
      %convert_element_type3A_86 = arith.extui %lt3A_85 : i1 to i32
      %cond3A_87 = arith.constant 0 : i32
      %cond3A_88 = arith.cmpi ne, %convert_element_type3A_86, %cond3A_87 : i32
      scf.if %cond3A_88 {
        %add3A_90 = arith.constant 2 : i32
        %add3A_91 = arith.addi %add3A_74, %add3A_90 : i32
        %mul3A_92 = arith.constant 6400 : i32
        %mul3A_93 = arith.muli %add3A_91, %mul3A_92 : i32
        %dma_start3A_94 = tpu.memref_slice %arg3[%mul3A_93] : memref<320000xi32, #tpu.memory_space<hbm>> -> memref<6400xi32, #tpu.memory_space<hbm>>
        %dma_start3A_95 = tpu.memref_slice %arg3[%mul3A_93] : memref<320000xi32, #tpu.memory_space<hbm>> -> memref<6400xi32, #tpu.memory_space<hbm>>
        tpu.enqueue_dma source(%dma_start3A_95 : memref<6400xi32, #tpu.memory_space<hbm>>) target(%arg9 : memref<6400xi32, #tpu.memory_space<vmem>>) target_semaphore(%arg11 : memref<!tpu.dma_semaphore, #tpu.memory_space<semaphore_mem>>)
      } else {
      }
      %scan3A_89 = arith.constant 0 : i32
      scf.yield %scan3A_89 : i32
    }
    %scan3A_21 = arith.constant 25 : i32
    %jit3A = arith.constant 2 : i32
    %div3A = arith.divsi %add3A, %jit3A : i32
    %sign3A = arith.constant 0 : i32
    %sign3A_22 = arith.cmpi sgt, %add3A, %sign3A : i32
    %sign3A_23 = arith.extui %sign3A_22 : i1 to i32
    %sign3A_24 = arith.constant 0 : i32
    %sign3A_25 = arith.cmpi slt, %add3A, %sign3A_24 : i32
    %sign3A_26 = arith.extui %sign3A_25 : i1 to i32
    %sign3A_27 = arith.subi %sign3A_23, %sign3A_26 : i32
    %sign3A_28 = arith.constant 0 : i32
    %sign3A_29 = arith.cmpi sgt, %jit3A, %sign3A_28 : i32
    %sign3A_30 = arith.extui %sign3A_29 : i1 to i32
    %sign3A_31 = arith.constant 0 : i32
    %sign3A_32 = arith.cmpi slt, %jit3A, %sign3A_31 : i32
    %sign3A_33 = arith.extui %sign3A_32 : i1 to i32
    %sign3A_34 = arith.subi %sign3A_30, %sign3A_33 : i32
    %ne3A = arith.cmpi ne, %sign3A_27, %sign3A_34 : i32
    %rem3A = arith.remsi %add3A, %jit3A : i32
    %ne3A_35 = arith.constant 0 : i32
    %ne3A_36 = arith.cmpi ne, %rem3A, %ne3A_35 : i32
    %and3A = arith.andi %ne3A, %ne3A_36 : i1
    %sub3A = arith.constant 1 : i32
    %sub3A_37 = arith.subi %div3A, %sub3A : i32
    %select_n3A = arith.select %and3A, %sub3A_37, %div3A : i32
    %jit3A_38 = arith.constant 2 : i32
    %eq3A = arith.constant 0 : i32
    %eq3A_39 = arith.cmpi eq, %jit3A_38, %eq3A : i32
    %jit3A_40 = arith.constant 1 : i32
    %select_n3A_41 = arith.select %eq3A_39, %jit3A_40, %jit3A_38 : i32
    %rem3A_42 = arith.remsi %add3A, %select_n3A_41 : i32
    %ne3A_43 = arith.constant 0 : i32
    %ne3A_44 = arith.cmpi ne, %rem3A_42, %ne3A_43 : i32
    %lt3A = arith.constant 0 : i32
    %lt3A_45 = arith.cmpi slt, %rem3A_42, %lt3A : i32
    %lt3A_46 = arith.constant 0 : i32
    %lt3A_47 = arith.cmpi slt, %select_n3A_41, %lt3A_46 : i32
    %ne3A_48 = arith.xori %lt3A_45, %lt3A_47 : i1
    %and3A_49 = arith.andi %ne3A_48, %ne3A_44 : i1
    %add3A_50 = arith.addi %rem3A_42, %select_n3A_41 : i32
    %select_n3A_51 = arith.select %and3A_49, %add3A_50, %rem3A_42 : i32
    %mul3A_52 = arith.constant 4 : i32
    %mul3A_53 = arith.muli %select_n3A_51, %mul3A_52 : i32
    "tpu.region"() ({
      %run_scoped3A = tpu.sem_alloc : memref<!tpu.dma_semaphore, #tpu.memory_space<semaphore_mem>>
      %dma_start3A_54 = arith.constant 0 : i32
      %dma_start3A_55 = arith.constant 0 : i32
      %dma_start3A_56 = tpu.memref_slice %arg4[%select_n3A, %dma_start3A_54, %mul3A_53, %dma_start3A_55] : memref<16x79x8x128xf32, #tpu.memory_space<hbm>> -> memref<1x79x4x128xf32, #tpu.memory_space<hbm>>
      %dma_start3A_57 = tpu.memref_squeeze %dma_start3A_56 : memref<1x79x4x128xf32, #tpu.memory_space<hbm>> -> memref<79x4x128xf32, #tpu.memory_space<hbm>>
      %dma_start3A_58 = arith.constant 0 : i32
      %dma_start3A_59 = arith.constant 0 : i32
      %dma_start3A_60 = tpu.memref_slice %arg4[%select_n3A, %dma_start3A_58, %mul3A_53, %dma_start3A_59] : memref<16x79x8x128xf32, #tpu.memory_space<hbm>> -> memref<1x79x4x128xf32, #tpu.memory_space<hbm>>
      %dma_start3A_61 = tpu.memref_squeeze %dma_start3A_60 : memref<1x79x4x128xf32, #tpu.memory_space<hbm>> -> memref<79x4x128xf32, #tpu.memory_space<hbm>>
      tpu.enqueue_dma source(%arg7 : memref<79x4x128xf32, #tpu.memory_space<vmem>>) target(%dma_start3A_61 : memref<79x4x128xf32, #tpu.memory_space<hbm>>) target_semaphore(%run_scoped3A : memref<!tpu.dma_semaphore, #tpu.memory_space<semaphore_mem>>)
      %dma_wait3A = arith.constant 0 : i32
      %dma_wait3A_62 = arith.constant 0 : i32
      %dma_wait3A_63 = tpu.memref_slice %arg4[%select_n3A, %dma_wait3A, %mul3A_53, %dma_wait3A_62] : memref<16x79x8x128xf32, #tpu.memory_space<hbm>> -> memref<1x79x4x128xf32, #tpu.memory_space<hbm>>
      %dma_wait3A_64 = tpu.memref_squeeze %dma_wait3A_63 : memref<1x79x4x128xf32, #tpu.memory_space<hbm>> -> memref<79x4x128xf32, #tpu.memory_space<hbm>>
      %dma_wait3A_65 = arith.constant 0 : i32
      %dma_wait3A_66 = arith.constant 0 : i32
      %dma_wait3A_67 = tpu.memref_slice %arg4[%select_n3A, %dma_wait3A_65, %mul3A_53, %dma_wait3A_66] : memref<16x79x8x128xf32, #tpu.memory_space<hbm>> -> memref<1x79x4x128xf32, #tpu.memory_space<hbm>>
      %dma_wait3A_68 = tpu.memref_squeeze %dma_wait3A_67 : memref<1x79x4x128xf32, #tpu.memory_space<hbm>> -> memref<79x4x128xf32, #tpu.memory_space<hbm>>
      tpu.wait_dma2 semaphore(%run_scoped3A : memref<!tpu.dma_semaphore, #tpu.memory_space<semaphore_mem>>) src(%arg7 : memref<79x4x128xf32, #tpu.memory_space<vmem>>) dst(%dma_wait3A_68 : memref<79x4x128xf32, #tpu.memory_space<hbm>>)
      tpu.yield
    }) : () -> ()
    return
  }
}

module attributes {stable_mosaic.version = 14 : i64} {
  func.func @_tc_linear_body(%arg0: i32, %arg1: memref<16x1x8x128xf32, #tpu.memory_space<vmem>>, %arg2: memref<128x128xf32, #tpu.memory_space<vmem>>, %arg3: memref<1x128xf32, #tpu.memory_space<vmem>>, %arg4: memref<128x128xf32, #tpu.memory_space<vmem>>) attributes {dimension_semantics = [#tpu.dimension_semantics<arbitrary>], iteration_bounds = array<i64: 79>, scalar_prefetch = 0 : i64, scratch_operands = 0 : i64, tpu.core_type = #tpu.core_type<tc>, window_params = [{transform_indices = @transform_0, window_bounds = array<i64: 16, 1, 8, 128>}, {pipeline_mode = #tpu.pipeline_mode<synchronous>, transform_indices = @transform_1, window_bounds = array<i64: 128, 128>}, {pipeline_mode = #tpu.pipeline_mode<synchronous>, transform_indices = @transform_2, window_bounds = array<i64: 1, 128>}, {transform_indices = @transform_3, window_bounds = array<i64: 128, 128>}]} {
    %get3A = arith.constant 0 : index
    %get3A_0 = arith.constant 0 : index
    %get3A_1 = arith.constant 0 : index
    %get3A_2 = arith.constant 0 : index
    %get3A_3 = vector.load %arg1[%get3A, %get3A_0, %get3A_1, %get3A_2] : memref<16x1x8x128xf32, #tpu.memory_space<vmem>>, vector<16x1x8x128xf32>
    %reshape3A = vector.shape_cast %get3A_3 : vector<16x1x8x128xf32> to vector<128x128xf32>
    %get3A_4 = arith.constant 0 : index
    %get3A_5 = arith.constant 0 : index
    %get3A_6 = vector.load %arg2[%get3A_4, %get3A_5] : memref<128x128xf32, #tpu.memory_space<vmem>>, vector<128x128xf32>
    %dot_general3A = arith.constant dense<0.000000e+00> : vector<128x128xf32>
    %dot_general3A_7 = tpu.matmul %reshape3A, %get3A_6, %dot_general3A {dimension_numbers = #tpu.dot_dimension_numbers<[0], [1], [1], [0], [0, 1, 1, 0], [], []>, transpose_lhs_hint = false} : vector<128x128xf32>, vector<128x128xf32>, vector<128x128xf32> -> vector<128x128xf32>
    %get3A_8 = arith.constant 0 : index
    %get3A_9 = arith.constant 0 : index
    %get3A_10 = vector.load %arg3[%get3A_8, %get3A_9] : memref<1x128xf32, #tpu.memory_space<vmem>>, vector<1x128xf32>
    %add3A = vector.broadcast %get3A_10 : vector<1x128xf32> to vector<128x128xf32>
    %add3A_11 = arith.addf %dot_general3A_7, %add3A : vector<128x128xf32>
    %max3A = arith.constant 0.000000e+00 : f32
    %max3A_12 = vector.broadcast %max3A : f32 to vector<128x128xf32>
    %max3A_13 = arith.maximumf %add3A_11, %max3A_12 : vector<128x128xf32>
    %swap3A = arith.constant 0 : index
    %swap3A_14 = arith.constant 0 : index
    %swap3A_15 = vector.load %arg4[%swap3A, %swap3A_14] : memref<128x128xf32, #tpu.memory_space<vmem>>, vector<128x128xf32>
    tpu.vector_store %arg4[%swap3A, %swap3A_14], %max3A_13 {strides = array<i32>} : memref<128x128xf32, #tpu.memory_space<vmem>>, vector<128x128xf32>,
    return
  }
  func.func @transform_0(%arg0: i32) -> (i32, i32, i32, i32) {
    %c0_i32 = arith.constant 0 : i32
    %c0_i32_0 = arith.constant 0 : i32
    %c0_i32_1 = arith.constant 0 : i32
    %c0_i32_2 = arith.constant 0 : i32
    return %c0_i32, %arg0, %c0_i32_0, %c0_i32_1 : i32, i32, i32, i32
  }
  func.func @transform_1(%arg0: i32) -> (i32, i32) {
    %c0_i32 = arith.constant 0 : i32
    %c0_i32_0 = arith.constant 0 : i32
    %c0_i32_1 = arith.constant 0 : i32
    return %c0_i32, %c0_i32_0 : i32, i32
  }
  func.func @transform_2(%arg0: i32) -> (i32, i32) {
    %c0_i32 = arith.constant 0 : i32
    %c0_i32_0 = arith.constant 0 : i32
    %c0_i32_1 = arith.constant 0 : i32
    return %c0_i32, %c0_i32_0 : i32, i32
  }
  func.func @transform_3(%arg0: i32) -> (i32, i32) {
    %c0_i32 = arith.constant 0 : i32
    %c0_i32_0 = arith.constant 0 : i32
    return %arg0, %c0_i32 : i32, i32
  }
}

module attributes {stable_mosaic.version = 14 : i64} {
  func.func @_tc_edgepack_body(%arg0: memref<2x320000xi32, #tpu.memory_space<vmem>>, %arg1: memref<320000xi32, #tpu.memory_space<vmem>>) attributes {dimension_semantics = [], scalar_prefetch = 0 : i64, scratch_operands = 0 : i64, tpu.core_type = #tpu.core_type<tc>} {
    %get3A = arith.constant 0 : index
    %get3A_0 = arith.constant 0 : index
    %get3A_1 = vector.load %arg0[%get3A, %get3A_0] : memref<2x320000xi32, #tpu.memory_space<vmem>>, vector<2x320000xi32>
    %slice3A = vector.extract_strided_slice %get3A_1 {offsets = [0, 0], sizes = [1, 320000], strides = [1, 1]} : vector<2x320000xi32> to vector<1x320000xi32>
    %squeeze3A = vector.shape_cast %slice3A : vector<1x320000xi32> to vector<320000xi32>
    %shift_left3A = arith.constant 16 : i32
    %shift_left3A_2 = vector.broadcast %shift_left3A : i32 to vector<320000xi32>
    %shift_left3A_3 = arith.shli %squeeze3A, %shift_left3A_2 : vector<320000xi32>
    %slice3A_4 = vector.extract_strided_slice %get3A_1 {offsets = [1, 0], sizes = [1, 320000], strides = [1, 1]} : vector<2x320000xi32> to vector<1x320000xi32>
    %squeeze3A_5 = vector.shape_cast %slice3A_4 : vector<1x320000xi32> to vector<320000xi32>
    %or3A = arith.ori %shift_left3A_3, %squeeze3A_5 : vector<320000xi32>
    %swap3A = arith.constant 0 : index
    %swap3A_6 = vector.load %arg1[%swap3A] : memref<320000xi32, #tpu.memory_space<vmem>>, vector<320000xi32>
    tpu.vector_store %arg1[%swap3A], %or3A {strides = array<i32>} : memref<320000xi32, #tpu.memory_space<vmem>>, vector<320000xi32>,
    return
  }
}

</mosaic_0001>

<sc_bundles>
// kernel: kernel.5.cloned.1.call-start
scs
__scs_entry_jumppad:
0x0: {  	(pc) =	sbr.rel $0x88, $3  }
0x1: {  	(tag) =	ssettag $0x0;
	lr =	simm.s32 $0x1  }
0x2: {  	[smem:$0x3F9D] =	sst lr;
	_ =	strace $0xD0000000  }
0x3: {  	_ = 	snop  }
0x4: {  	_ = 	snop  }
0x5: {  	_ = 	snop  }
0x6: {  	_ = 	snop  }
0x7: {  	_ = 	snop  }
__scs_overlays_trampoline_lowered:
0x8: {  	[smem:$0x3FAC] =	sst s0  }
0x9: {  	[smem:$0x3FAD] =	sst s1  }
0xa: {  	[smem:$0x3FAE] =	sst s2  }
0xb: {  	[smem:$0x3FAF] =	sst s3  }
0xc: {  	[smem:$0x3FB0] =	sst s4  }
0xd: {  	[smem:$0x3FB1] =	sst s5  }
0xe: {  	[smem:$0x3FB2] =	sst s6  }
0xf: {  	[smem:$0x3FB3] =	sst s7  }
0x10: {  	[smem:$0x3FB4] =	sst s8  }
0x11: {  	[smem:$0x3FB5] =	sst s9;
	s0 =	simm.s32 @!p0 $0x0  }
0x12: {  	s1 =	sld [smem:$0x3F9B];
	s0 =	simm.s32 @p0 $0x1  }
0x13: {  	[smem:$0x3FB6] =	sst s0;
	s0 =	simm.s32 @!p1 $0x0  }
0x14: {  	s2 =	sld [smem:$0x3F9A];
	s0 =	simm.s32 @p1 $0x1  }
0x15: {  	[smem:$0x3FB7] =	sst s0;
	s0 =	simm.s32 @!p2 $0x0  }
0x16: {  	s3 =	sld [smem:$0x3FDB];
	s0 =	simm.s32 @p2 $0x1  }
0x17: {  	s4 =	simm.s32 $0x1BF5;
	[smem:$0x3FB9] =	sst s0  }
0x18: {  	s0 =	sld [smem:$0x3F9C];
	_ =	swait.ge [sflag:s4], $0x0  }
0x19: {  	s7 =	sld [smem:$0x3F9D]  }
0x1a: {  	s8 =	sadd.s32 $0xFFFFE003, lr  }
0x1b: {  	s9 =	sadd.s32 $0xFFFFFEF7, lr;
	s5 =	simm.s32 $0xFFFFFFFF;
	p2 =	slt.u32 s8, $0xFFFFF086  }
0x1c: {  	p1 =	slt.u32 s9, $0xF7A;
	s5 =	simm.s32 @!p2 $0x0  }
0x1d: {  	s5 =	simm.s32 @p1 $0x1;
	p0 =	seq.s32 s7, s2  }
0x1e: {  	s7 =	smul.u32 @!p0 $0xF7A, s2;
	p2 =	seq.s32 @!p0 s5, $0x0  }
0x1f: {  	s9 =	smul.u32 $0xF7A, s1;
	s8 =	simm.s32 @!p0 $0x1BF5;
	p2 =	por !p2, p0  }
0x20: {  	[sflag:s8] =	ssyncset.s32 @!p0 $0xFFFFF086;
	s6 =	sadd.s32 @!p0 s3, s7;
	s7 =	simm.s32 @!p0 $0x108  }
0x21: {  	s3 =	sadd.s32 s3, s9;
	s6 =	sadd.s32 @!p0 $0x88, s6;
	s7 =	simm.s32 @p2 $0x1082  }
0x22: {  	[simem:s7], [sflag:s8] =	dma.local @!p0 [hbm:s6], $0xF7A  }
0x23: {  	s9 =	sor.u32 $0xD0000000, s2;
	s6 =	simm.s32 $0x108;
	_ =	swait.ge @!p0 [sflag:s8], $0x0  }
0x24: {  	s3 =	sadd.s32 $0x88, s3;
	s6 =	simm.s32 @!p1 $0x1082;
	[sflag:s4] =	ssyncset.s32 $0xFFFFF086  }
0x25: {  	[simem:s6], [sflag:s4] =	dma.local [hbm:s3], $0xF7A  }
0x26: {  	[smem:$0x3F9D] =	sst s1;
	(tag) =	ssettag s2;
	_ =	strace s9  }
0x27: {  	s1 =	sld [smem:$0x3FAD]  }
0x28: {  	s2 =	sld [smem:$0x3FAE]  }
0x29: {  	s4 =	sld [smem:$0x3FB0]  }
0x2a: {  	p0 =	seq.s32 s5, $0x0;
	s5 =	sld [smem:$0x3FB1]  }
0x2b: {  	s6 =	sld [smem:$0x3FB2]  }
0x2c: {  	s7 =	sld [smem:$0x3FB3]  }
0x2d: {  	s3 =	simm.s32 $0x108;
	s8 =	sld [smem:$0x3FB4]  }
0x2e: {  	s3 =	simm.s32 @!p0 $0x1082;
	s9 =	sld [smem:$0x3FB5]  }
0x2f: {  	lr =	sadd.s32 s0, s3;
	s0 =	sld [smem:$0x3FAC]  }
0x30: {  	s3 =	sld [smem:$0x3FAF]  }
0x31: {  	[smem:$0x3FB8] =	sst s10  }
0x32: {  	s10 =	sld [smem:$0x3FB6];
	_ =	sdelay $0x3  }
0x33: {  	p0 =	seq.s32 s10, $0x1;
	s10 =	sld [smem:$0x3FB8];
	_ =	sdelay $0x3  }
0x34: {  	[smem:$0x3FB8] =	sst s10  }
0x35: {  	s10 =	sld [smem:$0x3FB7];
	_ =	sdelay $0x3  }
0x36: {  	p1 =	seq.s32 s10, $0x1;
	s10 =	sld [smem:$0x3FB8];
	_ =	sdelay $0x3  }
0x37: {  	[smem:$0x3FB8] =	sst s10  }
0x38: {  	s10 =	sld [smem:$0x3FB9]  }
0x39: {  	_ = 	snop;
	(pc) =	sbr.ind lr, $3  }
0x3a: {  	_ = 	snop  }
0x3b: {  	_ = 	snop  }
0x3c: {  	p2 =	seq.s32 s10, $0x1;
	s10 =	sld [smem:$0x3FB8]  }
0x3d: {  	_ =	shalt  }
0x3e: {  	_ =	shalt  }
0x3f: {  	_ =	shalt  }
0x40: {  	_ =	shalt  }
0x41: {  	_ =	shalt  }
0x42: {  	_ =	shalt  }
0x43: {  	_ =	shalt  }
0x44: {  	_ =	shalt  }
0x45: {  	_ =	shalt  }
0x46: {  	_ =	shalt  }
0x47: {  	_ =	shalt  }
0x48: {  	_ =	shalt  }
0x49: {  	_ =	shalt  }
0x4a: {  	_ =	shalt  }
0x4b: {  	_ =	shalt  }
0x4c: {  	_ =	shalt  }
0x4d: {  	_ =	shalt  }
0x4e: {  	_ =	shalt  }
0x4f: {  	_ =	shalt  }
0x50: {  	_ =	shalt  }
0x51: {  	_ =	shalt  }
0x52: {  	_ =	shalt  }
0x53: {  	_ =	shalt  }
0x54: {  	_ =	shalt  }
0x55: {  	_ =	shalt  }
0x56: {  	_ =	shalt  }
0x57: {  	_ =	shalt  }
0x58: {  	_ =	shalt  }
0x59: {  	_ =	shalt  }
0x5a: {  	_ =	shalt  }
0x5b: {  	_ =	shalt  }
0x5c: {  	_ =	shalt  }
0x5d: {  	_ =	shalt  }
0x5e: {  	_ =	shalt  }
0x5f: {  	_ =	shalt  }
0x60: {  	_ =	shalt  }
0x61: {  	_ =	shalt  }
0x62: {  	_ =	shalt  }
0x63: {  	_ =	shalt  }
0x64: {  	_ =	shalt  }
0x65: {  	_ =	shalt  }
0x66: {  	_ =	shalt  }
0x67: {  	_ =	shalt  }
0x68: {  	_ =	shalt  }
0x69: {  	_ =	shalt  }
0x6a: {  	_ =	shalt  }
0x6b: {  	_ =	shalt  }
0x6c: {  	_ =	shalt  }
0x6d: {  	_ =	shalt  }
0x6e: {  	_ =	shalt  }
0x6f: {  	_ =	shalt  }
0x70: {  	_ =	shalt  }
0x71: {  	_ =	shalt  }
0x72: {  	_ =	shalt  }
0x73: {  	_ =	shalt  }
0x74: {  	_ =	shalt  }
0x75: {  	_ =	shalt  }
0x76: {  	_ =	shalt  }
0x77: {  	_ =	shalt  }
0x78: {  	_ =	shalt  }
0x79: {  	_ =	shalt  }
0x7a: {  	_ =	shalt  }
0x7b: {  	_ =	shalt  }
0x7c: {  	_ =	shalt  }
0x7d: {  	_ =	shalt  }
0x7e: {  	_ =	shalt  }
0x7f: {  	_ =	shalt  }
0x80: {  	_ =	shalt  }
0x81: {  	_ =	shalt  }
0x82: {  	_ =	shalt  }
0x83: {  	_ =	shalt  }
0x84: {  	_ =	shalt  }
0x85: {  	_ =	shalt  }
0x86: {  	_ =	shalt  }
0x87: {  	_ =	shalt  }
.Lfunc_end0:
.L_simem_size_0:
called_computation_lowered:
.L_overlay_start_0:
0x88: {  	s2 =	sld [smem:$0x3FD9]  }
0x89: {  	s3 =	sld [smem:$0x3FFE];
	_ =	sdelay $0x1  }
0x8a: {  	s1 =	srdreg.scid  }
0x8b: {  	s0 =	sand.u32 $0x1, s1  }
0x8c: {  	s17 =	sshll.u32 s0, $0xA;
	s2 =	sadd.s32 s3, s2  }
0x8d: {  	s2 =	sadd.s32 s2, s17  }
0x8e: {  	[smem:$0x3FC4] =	sst s2  }
0x8f: {  	_ = 	snop  }
0x90: {  	s2 =	sld [smem:$0x3FD0];
	(tm) =	ssettm $0x1  }
0x91: {  	s18 =	sld [smem:$0x3FFB];
	_ =	sdelay $0x3  }
0x92: {  	_ =	strace s18  }
0x93: {  	s3 =	sld [smem:$0x3FFC];
	_ =	sdelay $0x3  }
0x94: {  	_ =	strace s3  }
0x95: {  	s3 =	sld [smem:$0x3FFD];
	_ =	sdelay $0x3  }
0x96: {  	_ =	strace s3  }
0x97: {  	_ =	strace $0x8FFFFFFF  }
0x98: {  	s19 =	sld [smem:$0x3FDB];
	_ =	sdelay $0x1  }
0x99: {  	s4 =	simm.s32 $_scs_section_size  }
0x9a: {  	s5 =	simm.s32 $_size__tile_overlayer_lowered;
	s6 =	simm.s32 $_tile_overlayer_lowered  }
0x9b: {  	s22 =	simm.s32 $0x1BFF;
	s21 =	sshll.u32 s6, $0x1;
	s3 =	sadd.s32 s4, s19  }
0x9c: {  	s7 =	simm.s32 $0x0;
	s20 =	sshll.u32 s5, $0x1;
	s5 =	sadd.s32 s21, s3  }
0x9d: {  	[timem:s7], [sflag:s22] =	dma.local [hbm:s5], s20  }
0x9e: {  	_ =	swait.ge [sflag:s22], s20  }
0x9f: {  	s4 =	ssub.s32 $0x0, s20;
	[sflag:s22] =	ssyncset.done $0x0  }
0xa0: {  	[sflag:s22] =	ssyncadd.s32 s4;
	_ =	sdelay $0x1  }
0xa1: {  	s23 =	simm.s32 $0x1B8B  }
0xa2: {  	_ =	swait.ge [sflag:s23], $0x1  }
0xa3: {  	[sflag:s23] =	ssyncset.done $0x0  }
0xa4: {  	s25 =	simm.s32 $0x1B8E;
	s24 =	sld [smem:$0x3FFE];
	[sflag:s23] =	ssyncadd.s32 $0xFFFFFFFF  }
0xa5: {  	s26 =	simm.s32 $execute0_lowered;
	[smem:$0x3FD2] =	sst s25  }
0xa6: {  	s5 =	sshll.u32 s26, $0x1;
	_ =	strace $0x80000046;
	[dreg:$0x1] =	wrdreg $0xFFFFFFFF  }
0xa7: {  	s28 =	simm.s32 $_size_execute0_lowered;
	s3 =	sadd.s32 s3, s5;
	[dreg:$0x0] =	wrdreg $0x0  }
0xa8: {  	s5 =	sshll.u32 s28, $0x1;
	[dreg:$0x2] =	wrdreg s3  }
0xa9: {  	[dreg:$0x3] =	wrdreg s5  }
0xaa: {  	[dreg:$0x4] =	wrdreg $0xC0  }
0xab: {  	_ =	task [dreg:s7], $0x5FFFF  }
0xac: {  	[dreg:$0x1] =	wrdreg $0xFFFFFFFF  }
0xad: {  	[dreg:$0x0] =	wrdreg $0x60  }
0xae: {  	[dreg:$0x2] =	wrdreg s2  }
0xaf: {  	[dreg:$0x3] =	wrdreg s24  }
0xb0: {  	[dreg:$0x4] =	wrdreg $0x9  }
0xb1: {  	_ =	task.clear_ibuf [dreg:s7], $0x5FFFF;
	_ =	strace $0x90000046  }
0xb2: {  	s29 =	simm.s32 $0x9;
	_ =	strace $0x80000048  }
0xb3: {  	_ =	swait.ge [sflag:s29], $0x1  }
0xb4: {  	[sflag:s29] =	ssyncadd.s32 $0xFFFFFFFF  }
0xb5: {  	_ =	strace $0x90000048  }
0xb6: {  	_ =	sfence  }
0xb7: {  	s30 =	sld [smem:$0x0];
	_ =	sdelay $0x2  }
0xb8: {  	s31 =	sshll.u32 s1, $0xD;
	s1 =	sshrl.u32 s1, $0x2  }
0xb9: {  	s3 =	sand.u32 $0x4000, s31;
	s1 =	sadd.s32 s1, s30  }
0xba: {  	s0 =	sor.u32 s3, s0;
	s1 =	sshll.u32 s1, $0x11  }
0xbb: {  	s0 =	sor.u32 s1, s0  }
0xbc: {  	s0 =	sadd.s32 $0x8F2B, s0  }
0xbd: {  	[sflag:s0] =	ssyncadd.remote.s32 $0x1  }
0xbe: {  	_ =	sfence.sel $0xFFFF  }
0xbf: {  	[dreg:$0x0] =	wrdreg $0xFFFFFFFF;
	(pc) =	sbr.abs _section_cstart, $3  }
0xc0: {  	[dreg:$0x1] =	wrdreg $0xFFFFFFFF  }
0xc1: {  	_ =	task.clear_ibuf [dreg:s7], $0x2FFFF;
	_ =	strace $0x9FFFFFFF  }
0xc2: {  	(tm) =	ssettm $0x7FFFFFFF  }
0xc3: {  	_ =	shalt  }
tec
execute0_lowered:
.L_overlay_start_1:
0x0: {  	(tag) =	ssettag $0x1  }
0x1: {  	s7 =	rddreg [dreg:$0x0]  }
0x2: {  	s0 =	srdreg.scid;
	s3 =	simm.s32 $0x1;
	s8 =	rddreg [dreg:$0x1]  }
0x3: {  	s2 =	simm.s32 $0x0;
	s11 =	simm.s32 $0x3;
	s5 =	sand.u32 $0x1, s0  }
0x4: {  	s12 =	simm.s32 $0x9C40;
	s0 =	stileid.u32;
	s1 =	sshll.u32 s5, $0x4  }
0x5: {  	s13 =	simm.s32 $0xEA60;
	s29 =	sand.u32 $0x1, s0;
	s6 =	sor.u32 s0, s1  }
0x6: {  	s14 =	simm.s32 $0x2;
	p1 =	seq.s32 s29, $0x1;
	p0 =	seq.s32 s6, $0x0  }
0x7: {  	s15 =	simm.s32 $0x200;
	s16 =	simm.s32 $0x400;
	p0 =	por !p0, !p1  }
0x8: {  	s17 =	simm.s32 $0x0;
	[smem:$0x7FF] =	sst s2;
	p0 =	por !p0, !p0  }
0x9: {  	s30 =	sshll.u32 s0, $0x9;
	s4 =	sshrl.u32 s6, $0x1;
	s3 =	simm.s32 @!p0 $0x0  }
0xa: {  	s5 =	ssub.s32 $0x2, s5;
	s6 =	smul.u32 $0x1388, s6;
	s3 =	ssub.s32 s4, s3  }
0xb: {  	s1 =	rddreg [dreg:$0x2];
	_ =	strace $0x80000047;
	s9 =	smul.u32 $0x13C00, s3  }
.Ltmp0:
0xc: {  	s10 =	sand.u32 $0x200, s30;
	s31 =	sshrl.u32 s5, $0x1;
	(pc) =	sbr.rel .LBB2_1-.Ltmp0, $4  }
0xd: {  	s6 =	sadd.s32 s7, s6;
	s4 =	simm.s32 $0x1;
	s9 =	sor.u32 s10, s9  }
0xe: {  	s3 =	sadd.s32 $0xE00, s8;
	s10 =	ssub.s32 s5, s31;
	s9 =	sshrl.u32 s9, $0x3  }
0xf: {  	s5 =	sadd.s32 $0x1120, s8;
	s9 =	sadd.s32 s9, s8;
	s8 =	smax.u32 s10, $0x1  }
0x10: {  	v0 =	vimm.f32 $0.0e+00;
	s10 =	simm.s32 $0x1A160;
	s7 =	sadd.s32 $0xAC00, s9;
	s9 =	simm.s32 $0x18860  }
.LBB2_12:
0x11: {  	s17 =	sadd.s32 $0x1, s17  }
0x12: {  	p0 =	sne.s32 s17, s8  }
.Ltmp1:
0x13: {  	_ = 	snop;
	(pc) =	sbr.rel @!p0 .LBB2_13-.Ltmp1, $4  }
0x14: {  	[hbm4b:s7+s15] =	stream.strided.scatter [tilespmem:s13], [sflag:$0x3], $0x9E00, s16, s15, $0x38;
	[tilespmem:$0x1BA60] =	vst v63  }
0x15: {  	_ =	swait.ge [sflag:s11], $0x9E00  }
0x16: {  	[sflag:s11] =	ssyncset.done $0x0  }
0x17: {  	[sflag:s11] =	ssyncadd.s32 $0xFFFF6200  }
.LBB2_1:
0x18: {  	[tilespmem:s9], [sflag:$0x1] =	stream.linear.gather [hbm4b:s3+s2], $0x1900, $0x38;
	[tilespmem:$0x1BA60] =	vst v63  }
0x19: {  	_ = 	snop  }
0x1a: {  	[tilespmem:s10], [sflag:$0x2] =	stream.linear.gather [hbm4b:s5+s2], $0x1900, $0x38;
	[tilespmem:$0x1BA60] =	vst v63  }
0x1b: {  	_ = 	snop  }
0x1c: {  	[tilespmem:s2], [sflag:$0x3] =	stream.linear.gather [hbm4b:s6+s2], $0x9C40, $0x38;
	[tilespmem:$0x1BA60] =	vst v63  }
0x1d: {  	_ =	swait.ge [sflag:s11], $0x9C40  }
0x1e: {  	[sflag:s11] =	ssyncset.done $0x0  }
0x1f: {  	s18 =	simm.s32 $0xEB60;
	[sflag:s11] =	ssyncadd.s32 $0xFFFF63C0  }
0x20: {  	[tilespmem:s18+$0xFFFFFF00] =	vst v0  }
0x21: {  	[tilespmem:s18+$0xF0] =	vst v0  }
0x22: {  	[tilespmem:s18+$0x70] =	vst v0  }
0x23: {  	[tilespmem:s18+$0xFFFFFFF0] =	vst v0  }
0x24: {  	[tilespmem:s18+$0xFFFFFF70] =	vst v0  }
0x25: {  	[tilespmem:s18+$0xE0] =	vst v0  }
0x26: {  	[tilespmem:s18+$0x60] =	vst v0  }
0x27: {  	[tilespmem:s18+$0xFFFFFFE0] =	vst v0  }
0x28: {  	[tilespmem:s18+$0xFFFFFF60] =	vst v0  }
0x29: {  	[tilespmem:s18+$0xD0] =	vst v0  }
0x2a: {  	[tilespmem:s18+$0x50] =	vst v0  }
0x2b: {  	[tilespmem:s18+$0xFFFFFFD0] =	vst v0  }
0x2c: {  	[tilespmem:s18+$0xFFFFFF50] =	vst v0  }
0x2d: {  	[tilespmem:s18+$0xC0] =	vst v0  }
0x2e: {  	[tilespmem:s18+$0x40] =	vst v0  }
0x2f: {  	[tilespmem:s18+$0xFFFFFFC0] =	vst v0  }
0x30: {  	[tilespmem:s18+$0xFFFFFF40] =	vst v0  }
0x31: {  	[tilespmem:s18+$0xB0] =	vst v0  }
0x32: {  	[tilespmem:s18+$0x30] =	vst v0  }
0x33: {  	[tilespmem:s18+$0xFFFFFFB0] =	vst v0  }
0x34: {  	[tilespmem:s18+$0xFFFFFF30] =	vst v0  }
0x35: {  	[tilespmem:s18+$0xA0] =	vst v0  }
0x36: {  	[tilespmem:s18+$0x20] =	vst v0  }
0x37: {  	[tilespmem:s18+$0xFFFFFFA0] =	vst v0  }
0x38: {  	[tilespmem:s18+$0xFFFFFF20] =	vst v0  }
0x39: {  	[tilespmem:s18+$0x90] =	vst v0  }
0x3a: {  	[tilespmem:s18+$0x10] =	vst v0  }
0x3b: {  	[tilespmem:s18+$0xFFFFFF90] =	vst v0  }
0x3c: {  	[tilespmem:s18+$0xFFFFFF10] =	vst v0  }
0x3d: {  	[tilespmem:s18+$0x80] =	vst v0  }
0x3e: {  	s19 =	simm.s32 $0x0;
	[tilespmem:s18+$0x0] =	vst v0  }
.LBB2_2:
0x3f: {  	s19 =	sadd.s32 $0x8, s19;
	[tilespmem:s18+$0xFFFFFF80] =	vst v0;
	s18 =	sadd.s32 $0x200, s18  }
0x40: {  	[tilespmem:s18+$0xFFFFFF00] =	vst v0;
	p0 =	slt.u32 s19, $0x270  }
0x41: {  	[tilespmem:s18+$0xF0] =	vst v0  }
0x42: {  	[tilespmem:s18+$0x70] =	vst v0  }
0x43: {  	[tilespmem:s18+$0xFFFFFFF0] =	vst v0  }
0x44: {  	[tilespmem:s18+$0xFFFFFF70] =	vst v0  }
0x45: {  	[tilespmem:s18+$0xE0] =	vst v0  }
0x46: {  	[tilespmem:s18+$0x60] =	vst v0  }
0x47: {  	[tilespmem:s18+$0xFFFFFFE0] =	vst v0  }
0x48: {  	[tilespmem:s18+$0xFFFFFF60] =	vst v0  }
0x49: {  	[tilespmem:s18+$0xD0] =	vst v0  }
0x4a: {  	[tilespmem:s18+$0x50] =	vst v0  }
0x4b: {  	[tilespmem:s18+$0xFFFFFFD0] =	vst v0  }
0x4c: {  	[tilespmem:s18+$0xFFFFFF50] =	vst v0  }
0x4d: {  	[tilespmem:s18+$0xC0] =	vst v0  }
0x4e: {  	[tilespmem:s18+$0x40] =	vst v0  }
0x4f: {  	[tilespmem:s18+$0xFFFFFFC0] =	vst v0  }
0x50: {  	[tilespmem:s18+$0xFFFFFF40] =	vst v0  }
0x51: {  	[tilespmem:s18+$0xB0] =	vst v0  }
0x52: {  	[tilespmem:s18+$0x30] =	vst v0  }
0x53: {  	[tilespmem:s18+$0xFFFFFFB0] =	vst v0  }
0x54: {  	[tilespmem:s18+$0xFFFFFF30] =	vst v0  }
0x55: {  	[tilespmem:s18+$0xA0] =	vst v0  }
0x56: {  	[tilespmem:s18+$0x20] =	vst v0  }
0x57: {  	[tilespmem:s18+$0xFFFFFFA0] =	vst v0  }
0x58: {  	[tilespmem:s18+$0xFFFFFF20] =	vst v0  }
0x59: {  	[tilespmem:s18+$0x90] =	vst v0  }
.Ltmp2:
0x5a: {  	[tilespmem:s18+$0x10] =	vst v0;
	(pc) =	sbr.rel @p0 .LBB2_2-.Ltmp2, $4  }
0x5b: {  	[tilespmem:s18+$0xFFFFFF90] =	vst v0  }
0x5c: {  	[tilespmem:s18+$0xFFFFFF10] =	vst v0  }
0x5d: {  	[tilespmem:s18+$0x80] =	vst v0  }
0x5e: {  	[tilespmem:s18+$0x0] =	vst v0  }
0x5f: {  	[tilespmem:s18+$0xFFFFFF80] =	vst v0;
	s18 =	simm.s32 $0x0  }
0x60: {  	v1 =	vld [tilespmem:s18+$0x4E90]  }
0x61: {  	v2 =	vld [tilespmem:s18+$0x75A0]  }
0x62: {  	v3 =	vld [tilespmem:s18+$0x0]  }
0x63: {  	v4 =	vld [tilespmem:s18+$0x2710]  }
0x64: {  	v5 =	vld [tilespmem:s18+$0x4E20]  }
0x65: {  	v6 =	vld [tilespmem:s18+$0x7530]  }
0x66: {  	v7 =	vld [tilespmem:s18+$0x10]  }
0x67: {  	v8 =	vld [tilespmem:s18+$0x2720]  }
0x68: {  	v9 =	vld [tilespmem:s18+$0x4E30]  }
0x69: {  	v10 =	vld [tilespmem:s18+$0x7540]  }
0x6a: {  	v11 =	vld [tilespmem:s18+$0x20]  }
0x6b: {  	v12 =	vld [tilespmem:s18+$0x2730]  }
0x6c: {  	v13 =	vld [tilespmem:s18+$0x4E40]  }
0x6d: {  	v17 =	vld [tilespmem:s18+$0x4E50]  }
0x6e: {  	v18 =	vld [tilespmem:s18+$0x7560]  }
0x6f: {  	v14 =	vld [tilespmem:s18+$0x7550]  }
0x70: {  	v15 =	vld [tilespmem:s18+$0x30]  }
0x71: {  	v16 =	vld [tilespmem:s18+$0x2740]  }
0x72: {  	v62 =	vld [tilespmem:s18+$0x7580];
	v1 =	vpack.i.f32.bf16 v2, v1  }
0x73: {  	v2 =	vld [tilespmem:s18+$0x40];
	v63 =	vpack.i.f32.bf16 v18, v17;
	[tilespmem:s18+$0xC3C0] =	vst v1  }
0x74: {  	v1 =	vpack.i.f32.bf16 v4, v3;
	v3 =	vld [tilespmem:s18+$0x2750];
	[tilespmem:s18+$0xC380] =	vst v63  }
0x75: {  	v4 =	vld [tilespmem:s18+$0x4E60];
	[tilespmem:s18+$0x9C40] =	vst v1;
	v1 =	vpack.i.f32.bf16 v6, v5  }
0x76: {  	v5 =	vld [tilespmem:s18+$0x7570];
	[tilespmem:s18+$0xC350] =	vst v1;
	v1 =	vpack.i.f32.bf16 v8, v7  }
0x77: {  	v6 =	vld [tilespmem:s18+$0x50];
	[tilespmem:s18+$0x9C50] =	vst v1;
	v1 =	vpack.i.f32.bf16 v10, v9  }
0x78: {  	v7 =	vld [tilespmem:s18+$0x2760];
	[tilespmem:s18+$0xC360] =	vst v1;
	v1 =	vpack.i.f32.bf16 v12, v11  }
0x79: {  	v8 =	vld [tilespmem:s18+$0x4E70];
	[tilespmem:s18+$0x9C60] =	vst v1;
	v1 =	vpack.i.f32.bf16 v14, v13  }
0x7a: {  	v2 =	vpack.i.f32.bf16 v3, v2;
	v3 =	vld [tilespmem:s18+$0x2770];
	[tilespmem:s18+$0xC370] =	vst v1;
	v1 =	vpack.i.f32.bf16 v16, v15  }
0x7b: {  	[tilespmem:s18+$0x9C70] =	vst v1;
	v1 =	vld [tilespmem:s18+$0x60]  }
0x7c: {  	[tilespmem:s18+$0x9C80] =	vst v2;
	v4 =	vpack.i.f32.bf16 v5, v4;
	v2 =	vld [tilespmem:s18+$0x4E80]  }
0x7d: {  	v5 =	vld [tilespmem:s18+$0x7590];
	[tilespmem:s18+$0xC390] =	vst v4;
	v4 =	vpack.i.f32.bf16 v7, v6  }
0x7e: {  	s19 =	simm.s32 $0x0;
	s20 =	simm.s32 $0x200;
	v6 =	vpack.i.f32.bf16 v62, v8;
	[tilespmem:s18+$0x9C90] =	vst v4;
	v4 =	vld [tilespmem:s18+$0x70]  }
.LBB2_4:
0x7f: {  	s21 =	sshra.s32 s20, $0x2;
	[tilespmem:s18+$0xC3A0] =	vst v6;
	v6 =	vld [tilespmem:s18+$0x2780]  }
0x80: {  	s19 =	sadd.s32 $0x8, s19;
	v7 =	vld [tilespmem:s21+$0x4E90];
	v1 =	vpack.i.f32.bf16 v3, v1  }
0x81: {  	p0 =	slt.u32 s19, $0x268;
	v3 =	vld [tilespmem:s21+$0x75A0];
	[tilespmem:s18+$0x9CA0] =	vst v1  }
0x82: {  	v1 =	vld [tilespmem:s21+$0x0];
	v2 =	vpack.i.f32.bf16 v5, v2  }
0x83: {  	v5 =	vld [tilespmem:s21+$0x2710];
	[tilespmem:s18+$0xC3B0] =	vst v2  }
0x84: {  	v2 =	vld [tilespmem:s21+$0x4E20];
	v4 =	vpack.i.f32.bf16 v6, v4  }
0x85: {  	v6 =	vld [tilespmem:s21+$0x7530];
	[tilespmem:s18+$0x9CB0] =	vst v4;
	s18 =	smov.u32 s21  }
0x86: {  	v4 =	vld [tilespmem:s18+$0x10];
	v3 =	vpack.i.f32.bf16 v3, v7  }
0x87: {  	v7 =	vld [tilespmem:s18+$0x2720];
	[tilespmem:s18+$0xC3C0] =	vst v3  }
0x88: {  	v1 =	vpack.i.f32.bf16 v5, v1;
	v3 =	vld [tilespmem:s18+$0x4E30]  }
0x89: {  	[tilespmem:s18+$0x9C40] =	vst v1;
	v1 =	vld [tilespmem:s18+$0x7540]  }
0x8a: {  	v2 =	vpack.i.f32.bf16 v6, v2;
	v5 =	vld [tilespmem:s18+$0x20]  }
0x8b: {  	[tilespmem:s18+$0xC350] =	vst v2;
	v2 =	vld [tilespmem:s18+$0x2730]  }
0x8c: {  	v4 =	vpack.i.f32.bf16 v7, v4;
	v6 =	vld [tilespmem:s18+$0x4E40]  }
0x8d: {  	[tilespmem:s18+$0x9C50] =	vst v4;
	v4 =	vld [tilespmem:s18+$0x7550]  }
0x8e: {  	v1 =	vpack.i.f32.bf16 v1, v3;
	v3 =	vld [tilespmem:s18+$0x30]  }
0x8f: {  	[tilespmem:s18+$0xC360] =	vst v1;
	v1 =	vld [tilespmem:s18+$0x2740]  }
0x90: {  	v2 =	vpack.i.f32.bf16 v2, v5;
	v5 =	vld [tilespmem:s18+$0x4E50]  }
0x91: {  	[tilespmem:s18+$0x9C60] =	vst v2;
	v2 =	vld [tilespmem:s18+$0x7560]  }
0x92: {  	v4 =	vpack.i.f32.bf16 v4, v6;
	v6 =	vld [tilespmem:s18+$0x40]  }
0x93: {  	[tilespmem:s18+$0xC370] =	vst v4;
	v4 =	vld [tilespmem:s18+$0x2750]  }
0x94: {  	v1 =	vpack.i.f32.bf16 v1, v3;
	v3 =	vld [tilespmem:s18+$0x4E60]  }
0x95: {  	[tilespmem:s18+$0x9C70] =	vst v1;
	v1 =	vld [tilespmem:s18+$0x7570]  }
0x96: {  	v2 =	vpack.i.f32.bf16 v2, v5;
	v5 =	vld [tilespmem:s18+$0x50]  }
0x97: {  	[tilespmem:s18+$0xC380] =	vst v2;
	v2 =	vld [tilespmem:s18+$0x2760]  }
0x98: {  	v4 =	vpack.i.f32.bf16 v4, v6;
	v6 =	vld [tilespmem:s18+$0x4E70]  }
0x99: {  	[tilespmem:s18+$0x9C80] =	vst v4;
	v4 =	vld [tilespmem:s18+$0x7580]  }
.Ltmp3:
0x9a: {  	v3 =	vpack.i.f32.bf16 v1, v3;
	v1 =	vld [tilespmem:s18+$0x60];
	(pc) =	sbr.rel @p0 .LBB2_4-.Ltmp3, $4  }
0x9b: {  	[tilespmem:s18+$0xC390] =	vst v3;
	v3 =	vld [tilespmem:s18+$0x2770]  }
0x9c: {  	v5 =	vpack.i.f32.bf16 v2, v5;
	v2 =	vld [tilespmem:s18+$0x4E80]  }
0x9d: {  	[tilespmem:s18+$0x9C90] =	vst v5;
	v5 =	vld [tilespmem:s18+$0x7590]  }
0x9e: {  	s20 =	sadd.s32 $0x200, s20;
	v6 =	vpack.i.f32.bf16 v4, v6;
	v4 =	vld [tilespmem:s18+$0x70]  }
0x9f: {  	v7 =	vld [tilespmem:s18+$0x2780];
	_ =	sdelay $0x2  }
0xa0: {  	[tilespmem:s18+$0xC3A0] =	vst v6;
	v1 =	vpack.i.f32.bf16 v3, v1  }
0xa1: {  	[tilespmem:s18+$0x9CA0] =	vst v1;
	v1 =	vpack.i.f32.bf16 v5, v2  }
0xa2: {  	[tilespmem:s18+$0xC3B0] =	vst v1;
	v1 =	vpack.i.f32.bf16 v7, v4  }
0xa3: {  	[tilespmem:s18+$0x9CB0] =	vst v1  }
0xa4: {  	v1 =	vld [tilespmem:$0x2700]  }
0xa5: {  	v2 =	vld [tilespmem:$0x4E10]  }
0xa6: {  	v3 =	vld [tilespmem:$0x7520]  }
0xa7: {  	v63 =	vld [tilespmem:$0x9C30];
	_ =	sdelay $0x3  }
0xa8: {  	v1 =	vpack.i.f32.bf16 v2, v1  }
0xa9: {  	[tilespmem:$0xC340] =	vst v1;
	v1 =	vpack.i.f32.bf16 v63, v3  }
0xaa: {  	s18 =	simm.s32 $0x0;
	[tilespmem:$0xEA50] =	vst v1  }
.LBB2_6:
0xab: {  	_ =	swait.ge [sflag:s4], $0x1900  }
0xac: {  	[sflag:s4] =	ssyncset.done $0x0  }
0xad: {  	s19 =	simm.s32 $0x188A0;
	[sflag:s4] =	ssyncadd.s32 $0xFFFFE700  }
0xae: {  	v1 =	vld [tilespmem:s19+$0xFFFFFFC0]  }
0xaf: {  	v2 =	vld [tilespmem:s19+$0x10]  }
0xb0: {  	v3 =	vld [tilespmem:s19+$0x30]  }
0xb1: {  	v4 =	vld [tilespmem:s19+$0x20]  }
0xb2: {  	v5 =	vld [tilespmem:s19+$0x0]  }
0xb3: {  	v8 =	vld [tilespmem:s19+$0xFFFFFFD0]  }
0xb4: {  	v7 =	vld [tilespmem:s19+$0xFFFFFFF0]  }
0xb5: {  	v6 =	vunpack.i.l.s16.s32 v1;
	v12 =	vunpack.i.u.s16.s32 v2;
	v1 =	vunpack.i.u.s16.s32 v1  }
0xb6: {  	v14 =	vld [tilespmem:s19+$0xFFFFFFE0];
	v9 =	vunpack.i.u.s16.s32 v3;
	v13 =	vunpack.i.l.s16.s32 v3;
	v15 =	vunpack.i.u.s16.s32 v4  }
0xb7: {  	v16 =	vunpack.i.l.s16.s32 v4;
	v4 =	vunpack.i.l.s16.s32 v2;
	v17 =	vunpack.i.u.s16.s32 v5  }
0xb8: {  	v20 =	vunpack.i.l.s16.s32 v5;
	v2 =	vunpack.i.l.s16.s32 v8;
	v10 =	vshll.u32 v1, $0x2  }
0xb9: {  	v18 =	vunpack.i.u.s16.s32 v7;
	v1 =	vand.u32 $0x7F, v1;
	v3 =	vand.u32 $0xFFFFFE00, v10  }
0xba: {  	v21 =	vunpack.i.l.s16.s32 v7;
	v10 =	vshll.u32 v15, $0x2;
	v3 =	vor.u32 v3, v1;
	v5 =	vld.idx.msk [tilespmem:v6+s12+$0x0], $0xffff  }
0xbb: {  	v1 =	vand.u32 $0x7F, v15;
	v15 =	vand.u32 $0xFFFFFE00, v10;
	v10 =	vunpack.i.l.s16.s32 v14;
	v23 =	vld.idx.msk [tilespmem:v13+s12+$0x0], $0xffff  }
0xbc: {  	v8 =	vunpack.i.u.s16.s32 v8;
	v11 =	vadd.s32 $0x2710, v16;
	v22 =	vand.u32 $0x7F, v9;
	v25 =	vld.idx.msk [tilespmem:v16+s12+$0x0], $0xffff  }
0xbd: {  	v24 =	vand.u32 $0x7F, v18;
	v1 =	vor.u32 v15, v1;
	v16 =	vshll.u32 v9, $0x2;
	v9 =	vld.idx.msk [tilespmem:v4+s12+$0x0], $0xffff  }
0xbe: {  	v7 =	vadd.s32 $0x2710, v21;
	v27 =	vshll.u32 v17, $0x2;
	v26 =	vor.u32 $0x80, v3;
	v19 =	vld.idx.msk [tilespmem:v2+s12+$0x0], $0xffff  }
0xbf: {  	v28 =	vadd.s32 $0x2710, v6;
	v32 =	vadd.s32 $0x2710, v13;
	v15 =	vshll.u32 v18, $0x2;
	v29 =	vld.idx.msk [tilespmem:v21+s12+$0x0], $0xffff  }
0xc0: {  	v15 =	vand.u32 $0xFFFFFE00, v15;
	v16 =	vand.u32 $0xFFFFFE00, v16;
	v30 =	vld.idx.msk [tilespmem:v10+s12+$0x0], $0xffff;
	v18 =	vunpack.i.l.bf16.f32 v5  }
0xc1: {  	v6 =	vor.u32 v16, v22;
	v16 =	vshll.u32 v12, $0x2;
	v21 =	vunpack.i.l.bf16.f32 v25;
	[tilespmem:v3+s13+$0x0] =	vst.idx.add.f32.msk $0xffff, v18  }
0xc2: {  	v31 =	vor.u32 $0x80, v6;
	v13 =	vand.u32 $0xFFFFFE00, v16;
	v5 =	vunpack.i.u.bf16.f32 v5;
	[tilespmem:v1+s13+$0x0] =	vst.idx.add.f32.msk $0xffff, v21  }
0xc3: {  	v18 =	vshll.u32 v8, $0x2;
	v21 =	vand.u32 $0xFFFFFE00, v27;
	[tilespmem:v26+s13+$0x0] =	vst.idx.add.f32.msk $0xffff, v5;
	v5 =	vand.u32 $0x7F, v12  }
0xc4: {  	v12 =	vand.u32 $0x7F, v17;
	v16 =	vand.u32 $0xFFFFFE00, v18;
	v18 =	vld.idx.msk [tilespmem:v20+s12+$0x0], $0xffff;
	v13 =	vor.u32 v13, v5  }
0xc5: {  	v5 =	vand.u32 $0x7F, v8;
	v8 =	vunpack.i.l.bf16.f32 v23;
	v17 =	vld.idx.msk [tilespmem:v28+s12+$0x0], $0xffff;
	v21 =	vor.u32 v21, v12  }
0xc6: {  	v26 =	vor.u32 $0x80, v1;
	v5 =	vor.u32 v16, v5;
	v16 =	vunpack.i.u.bf16.f32 v23;
	[tilespmem:v6+s13+$0x0] =	vst.idx.add.f32.msk $0xffff, v8  }
0xc7: {  	v14 =	vunpack.i.u.s16.s32 v14;
	v22 =	vadd.s32 $0x2710, v20;
	v20 =	vor.u32 v15, v24;
	[tilespmem:v31+s13+$0x0] =	vst.idx.add.f32.msk $0xffff, v16  }
0xc8: {  	v12 =	vand.u32 $0x7F, v14;
	v8 =	vshll.u32 v14, $0x2;
	v14 =	vunpack.i.l.bf16.f32 v9;
	v16 =	vld.idx.msk [tilespmem:v32+s12+$0x0], $0xffff  }
0xc9: {  	v15 =	vunpack.i.l.bf16.f32 v19;
	v24 =	vor.u32 $0x80, v20;
	v27 =	vunpack.i.l.bf16.f32 v18;
	[tilespmem:v13+s13+$0x0] =	vst.idx.add.f32.msk $0xffff, v14  }
0xca: {  	v23 =	vor.u32 $0x80, v5;
	v8 =	vand.u32 $0xFFFFFE00, v8;
	v14 =	vunpack.i.u.bf16.f32 v25;
	[tilespmem:v21+s13+$0x0] =	vst.idx.add.f32.msk $0xffff, v27  }
0xcb: {  	v8 =	vor.u32 v8, v12;
	v12 =	vunpack.i.u.bf16.f32 v30;
	v25 =	vunpack.i.l.bf16.f32 v29;
	[tilespmem:v26+s13+$0x0] =	vst.idx.add.f32.msk $0xffff, v14  }
0xcc: {  	s20 =	simm.s32 $0x0;
	v14 =	vunpack.i.l.bf16.f32 v30;
	[tilespmem:v5+s13+$0x0] =	vst.idx.add.f32.msk $0xffff, v15;
	v15 =	vor.u32 $0x80, v8;
	v26 =	vunpack.i.u.bf16.f32 v29  }
.LBB2_7:
0xcd: {  	s20 =	sadd.s32 $0x8, s20;
	v11 =	vld.idx.msk [tilespmem:v11+s12+$0x0], $0xffff;
	s19 =	sadd.s32 $0x80, s19  }
0xce: {  	v19 =	vunpack.i.u.bf16.f32 v19;
	p0 =	slt.u32 s20, $0x188;
	[tilespmem:v20+s13+$0x0] =	vst.idx.add.f32.msk $0xffff, v25  }
0xcf: {  	[tilespmem:v23+s13+$0x0] =	vst.idx.add.f32.msk $0xffff, v19  }
0xd0: {  	v10 =	vadd.s32 $0x2710, v10;
	v19 =	vunpack.i.l.bf16.f32 v17;
	[tilespmem:v24+s13+$0x0] =	vst.idx.add.f32.msk $0xffff, v26  }
0xd1: {  	v23 =	vld [tilespmem:s19+$0x0]  }
0xd2: {  	v25 =	vor.u32 $0x80, v21;
	v24 =	vld [tilespmem:s19+$0x20]  }
0xd3: {  	v26 =	vld [tilespmem:s19+$0x10]  }
0xd4: {  	v28 =	vor.u32 $0x80, v13;
	v27 =	vld [tilespmem:s19+$0x30]  }
0xd5: {  	v29 =	vld [tilespmem:s19+$0xFFFFFFC0]  }
0xd6: {  	v18 =	vunpack.i.u.bf16.f32 v18;
	v30 =	vor.u32 $0x100, v1;
	v7 =	vld.idx.msk [tilespmem:v7+s12+$0x0], $0xffff  }
0xd7: {  	v4 =	vadd.s32 $0x2710, v4;
	[tilespmem:v25+s13+$0x0] =	vst.idx.add.f32.msk $0xffff, v18  }
0xd8: {  	v9 =	vunpack.i.u.bf16.f32 v9;
	v25 =	vor.u32 $0x100, v6;
	v18 =	vunpack.i.u.s16.s32 v26;
	v22 =	vld.idx.msk [tilespmem:v22+s12+$0x0], $0xffff  }
0xd9: {  	v31 =	vor.u32 $0x100, v20;
	[tilespmem:v28+s13+$0x0] =	vst.idx.add.f32.msk $0xffff, v9  }
0xda: {  	v32 =	vunpack.i.l.bf16.f32 v11;
	v28 =	vor.u32 $0x100, v3;
	v9 =	vld [tilespmem:s19+$0xFFFFFFF0]  }
0xdb: {  	v33 =	vor.u32 $0x100, v21;
	[tilespmem:v30+s13+$0x0] =	vst.idx.add.f32.msk $0xffff, v32  }
0xdc: {  	v21 =	vor.u32 $0x180, v21;
	v30 =	vunpack.i.l.bf16.f32 v16;
	v4 =	vld.idx.msk [tilespmem:v4+s12+$0x0], $0xffff  }
0xdd: {  	v3 =	vor.u32 $0x180, v3;
	v32 =	vunpack.i.l.bf16.f32 v7;
	[tilespmem:v25+s13+$0x0] =	vst.idx.add.f32.msk $0xffff, v30  }
0xde: {  	v20 =	vor.u32 $0x180, v20;
	[tilespmem:v31+s13+$0x0] =	vst.idx.add.f32.msk $0xffff, v32  }
0xdf: {  	v25 =	vor.u32 $0x100, v13;
	[tilespmem:v28+s13+$0x0] =	vst.idx.add.f32.msk $0xffff, v19;
	v19 =	vunpack.i.l.bf16.f32 v22  }
0xe0: {  	v2 =	vadd.s32 $0x2710, v2;
	v22 =	vunpack.i.u.bf16.f32 v22;
	[tilespmem:v33+s13+$0x0] =	vst.idx.add.f32.msk $0xffff, v19  }
0xe1: {  	v17 =	vunpack.i.u.bf16.f32 v17;
	v6 =	vor.u32 $0x180, v6;
	[tilespmem:v21+s13+$0x0] =	vst.idx.add.f32.msk $0xffff, v22  }
0xe2: {  	[tilespmem:v3+s13+$0x0] =	vst.idx.add.f32.msk $0xffff, v17;
	v3 =	vunpack.i.u.bf16.f32 v7;
	v7 =	vor.u32 $0x180, v13  }
0xe3: {  	[tilespmem:v20+s13+$0x0] =	vst.idx.add.f32.msk $0xffff, v3;
	v3 =	vunpack.i.l.bf16.f32 v4  }
0xe4: {  	[tilespmem:v25+s13+$0x0] =	vst.idx.add.f32.msk $0xffff, v3  }
0xe5: {  	v17 =	vor.u32 $0x180, v5;
	v13 =	vld.idx.msk [tilespmem:v2+s12+$0x0], $0xffff;
	v2 =	vunpack.i.u.bf16.f32 v16  }
0xe6: {  	v5 =	vor.u32 $0x100, v5;
	v3 =	vunpack.i.u.bf16.f32 v4;
	v16 =	vor.u32 $0x180, v8;
	[tilespmem:v6+s13+$0x0] =	vst.idx.add.f32.msk $0xffff, v2  }
0xe7: {  	v1 =	vor.u32 $0x180, v1;
	v6 =	vor.u32 $0x100, v8;
	v2 =	vunpack.i.u.bf16.f32 v11;
	[tilespmem:v7+s13+$0x0] =	vst.idx.add.f32.msk $0xffff, v3  }
0xe8: {  	v21 =	vunpack.i.u.s16.s32 v27;
	v20 =	vunpack.i.l.s16.s32 v29;
	v3 =	vunpack.i.u.s16.s32 v29;
	v19 =	vld [tilespmem:s19+$0xFFFFFFE0]  }
0xe9: {  	v22 =	vunpack.i.l.s16.s32 v27;
	v4 =	vshll.u32 v3, $0x2;
	v3 =	vand.u32 $0x7F, v3;
	[tilespmem:v8+s13+$0x0] =	vst.idx.add.f32.msk $0xffff, v14  }
0xea: {  	v25 =	vunpack.i.u.s16.s32 v24;
	v24 =	vunpack.i.l.s16.s32 v24;
	v8 =	vand.u32 $0xFFFFFE00, v4;
	v14 =	vld [tilespmem:s19+$0xFFFFFFD0]  }
0xeb: {  	v4 =	vunpack.i.l.s16.s32 v26;
	v26 =	vshll.u32 v25, $0x2;
	v27 =	vunpack.i.u.bf16.f32 v13;
	[tilespmem:v15+s13+$0x0] =	vst.idx.add.f32.msk $0xffff, v12  }
0xec: {  	v11 =	vadd.s32 $0x2710, v24;
	v12 =	vunpack.i.u.s16.s32 v23;
	v15 =	vunpack.i.l.s16.s32 v23;
	v10 =	vld.idx.msk [tilespmem:v10+s12+$0x0], $0xffff  }
0xed: {  	v28 =	vunpack.i.l.s16.s32 v9;
	v29 =	vand.u32 $0x7F, v21;
	v23 =	vunpack.i.u.s16.s32 v9;
	[tilespmem:v1+s13+$0x0] =	vst.idx.add.f32.msk $0xffff, v2  }
0xee: {  	v7 =	vadd.s32 $0x2710, v28;
	v21 =	vshll.u32 v21, $0x2;
	v31 =	vand.u32 $0x7F, v23;
	v30 =	vld.idx.msk [tilespmem:v20+s12+$0x0], $0xffff  }
0xef: {  	v3 =	vor.u32 v8, v3;
	v8 =	vunpack.i.u.s16.s32 v19;
	v2 =	vunpack.i.l.s16.s32 v14;
	v32 =	vld.idx.msk [tilespmem:v22+s12+$0x0], $0xffff  }
0xf0: {  	v1 =	vshll.u32 v23, $0x2;
	v23 =	vand.u32 $0x7F, v25;
	v14 =	vunpack.i.u.s16.s32 v14;
	v33 =	vld.idx.msk [tilespmem:v24+s12+$0x0], $0xffff  }
0xf1: {  	v13 =	vunpack.i.l.bf16.f32 v13;
	v24 =	vand.u32 $0xFFFFFE00, v1;
	v1 =	vand.u32 $0xFFFFFE00, v26;
	v9 =	vld.idx.msk [tilespmem:v4+s12+$0x0], $0xffff  }
0xf2: {  	v25 =	vshll.u32 v8, $0x2;
	v26 =	vshll.u32 v12, $0x2;
	[tilespmem:v5+s13+$0x0] =	vst.idx.add.f32.msk $0xffff, v13;
	v13 =	vunpack.i.u.bf16.f32 v10  }
0xf3: {  	v12 =	vand.u32 $0x7F, v12;
	v5 =	vshll.u32 v14, $0x2;
	[tilespmem:v17+s13+$0x0] =	vst.idx.add.f32.msk $0xffff, v27;
	v17 =	vunpack.i.l.bf16.f32 v10  }
0xf4: {  	v1 =	vor.u32 v1, v23;
	v5 =	vand.u32 $0xFFFFFE00, v5;
	v10 =	vunpack.i.l.s16.s32 v19;
	[tilespmem:v6+s13+$0x0] =	vst.idx.add.f32.msk $0xffff, v17  }
0xf5: {  	v14 =	vand.u32 $0x7F, v14;
	v6 =	vunpack.i.l.bf16.f32 v30;
	v17 =	vshll.u32 v18, $0x2;
	v19 =	vld.idx.msk [tilespmem:v2+s12+$0x0], $0xffff  }
0xf6: {  	v23 =	vor.u32 $0x80, v3;
	v27 =	vor.u32 $0x80, v1;
	[tilespmem:v3+s13+$0x0] =	vst.idx.add.f32.msk $0xffff, v6;
	v6 =	vand.u32 $0xFFFFFE00, v21  }
0xf7: {  	v5 =	vor.u32 v5, v14;
	v34 =	vunpack.i.u.bf16.f32 v32;
	v14 =	vunpack.i.l.bf16.f32 v33;
	[tilespmem:v16+s13+$0x0] =	vst.idx.add.f32.msk $0xffff, v13  }
0xf8: {  	v16 =	vadd.s32 $0x2710, v20;
	v6 =	vor.u32 v6, v29;
	v29 =	vadd.s32 $0x2710, v22;
	v28 =	vld.idx.msk [tilespmem:v28+s12+$0x0], $0xffff  }
0xf9: {  	v21 =	vand.u32 $0xFFFFFE00, v26;
	v22 =	vadd.s32 $0x2710, v15;
	v26 =	vor.u32 $0x80, v6;
	v35 =	vld.idx.msk [tilespmem:v10+s12+$0x0], $0xffff  }
0xfa: {  	v17 =	vand.u32 $0xFFFFFE00, v17;
	v13 =	vunpack.i.u.bf16.f32 v30;
	[tilespmem:v1+s13+$0x0] =	vst.idx.add.f32.msk $0xffff, v14  }
0xfb: {  	v8 =	vand.u32 $0x7F, v8;
	v14 =	vunpack.i.l.bf16.f32 v32;
	[tilespmem:v23+s13+$0x0] =	vst.idx.add.f32.msk $0xffff, v13;
	v13 =	vand.u32 $0x7F, v18  }
0xfc: {  	v20 =	vand.u32 $0xFFFFFE00, v25;
	v23 =	vor.u32 $0x80, v5;
	v18 =	vld.idx.msk [tilespmem:v15+s12+$0x0], $0xffff;
	v13 =	vor.u32 v17, v13  }
0xfd: {  	v21 =	vor.u32 v21, v12;
	v8 =	vor.u32 v20, v8;
	v20 =	vor.u32 v24, v31;
	v17 =	vld.idx.msk [tilespmem:v16+s12+$0x0], $0xffff  }
0xfe: {  	v24 =	vor.u32 $0x80, v20;
	[tilespmem:v6+s13+$0x0] =	vst.idx.add.f32.msk $0xffff, v14  }
0xff: {  	v14 =	vunpack.i.l.bf16.f32 v35;
	[tilespmem:v26+s13+$0x0] =	vst.idx.add.f32.msk $0xffff, v34  }
.Ltmp4:
0x100: {  	v12 =	vunpack.i.u.bf16.f32 v35;
	v26 =	vunpack.i.l.bf16.f32 v9;
	v16 =	vld.idx.msk [tilespmem:v29+s12+$0x0], $0xffff;
	(pc) =	sbr.rel @p0 .LBB2_7-.Ltmp4, $4  }
0x101: {  	v15 =	vor.u32 $0x80, v8;
	v25 =	vunpack.i.l.bf16.f32 v28;
	[tilespmem:v13+s13+$0x0] =	vst.idx.add.f32.msk $0xffff, v26;
	v26 =	vunpack.i.u.bf16.f32 v33  }
0x102: {  	v29 =	vunpack.i.l.bf16.f32 v19;
	v30 =	vunpack.i.l.bf16.f32 v18;
	[tilespmem:v27+s13+$0x0] =	vst.idx.add.f32.msk $0xffff, v26  }
0x103: {  	[tilespmem:v5+s13+$0x0] =	vst.idx.add.f32.msk $0xffff, v29  }
0x104: {  	v26 =	vunpack.i.u.bf16.f32 v28;
	[tilespmem:v21+s13+$0x0] =	vst.idx.add.f32.msk $0xffff, v30  }
0x105: {  	_ =	sdelay $0x3  }
0x106: {  	v11 =	vld.idx.msk [tilespmem:v11+s12+$0x0], $0xffff  }
0x107: {  	[tilespmem:v20+s13+$0x0] =	vst.idx.add.f32.msk $0xffff, v25  }
0x108: {  	v27 =	vor.u32 $0x80, v21;
	v19 =	vunpack.i.u.bf16.f32 v19;
	[tilespmem:v8+s13+$0x0] =	vst.idx.add.f32.msk $0xffff, v14  }
0x109: {  	[tilespmem:v23+s13+$0x0] =	vst.idx.add.f32.msk $0xffff, v19;
	v19 =	vor.u32 $0x80, v13  }
0x10a: {  	[tilespmem:v24+s13+$0x0] =	vst.idx.add.f32.msk $0xffff, v26  }
0x10b: {  	v23 =	vor.u32 $0x100, v1;
	[tilespmem:v15+s13+$0x0] =	vst.idx.add.f32.msk $0xffff, v12  }
0x10c: {  	v18 =	vunpack.i.u.bf16.f32 v18;
	v4 =	vadd.s32 $0x2710, v4;
	v7 =	vld.idx.msk [tilespmem:v7+s12+$0x0], $0xffff  }
0x10d: {  	v9 =	vunpack.i.u.bf16.f32 v9;
	[tilespmem:v27+s13+$0x0] =	vst.idx.add.f32.msk $0xffff, v18;
	v18 =	vor.u32 $0x100, v6  }
0x10e: {  	[tilespmem:v19+s13+$0x0] =	vst.idx.add.f32.msk $0xffff, v9;
	v9 =	vor.u32 $0x100, v3  }
0x10f: {  	v24 =	vor.u32 $0x100, v20;
	v22 =	vld.idx.msk [tilespmem:v22+s12+$0x0], $0xffff;
	v19 =	vunpack.i.l.bf16.f32 v11  }
0x110: {  	v25 =	vor.u32 $0x100, v21;
	[tilespmem:v23+s13+$0x0] =	vst.idx.add.f32.msk $0xffff, v19  }
0x111: {  	v3 =	vor.u32 $0x180, v3;
	v19 =	vor.u32 $0x180, v21;
	v4 =	vld.idx.msk [tilespmem:v4+s12+$0x0], $0xffff;
	v21 =	vunpack.i.l.bf16.f32 v16  }
0x112: {  	v20 =	vor.u32 $0x180, v20;
	[tilespmem:v18+s13+$0x0] =	vst.idx.add.f32.msk $0xffff, v21;
	v18 =	vunpack.i.l.bf16.f32 v17  }
0x113: {  	v23 =	vunpack.i.l.bf16.f32 v7;
	[tilespmem:v9+s13+$0x0] =	vst.idx.add.f32.msk $0xffff, v18;
	v18 =	vor.u32 $0x100, v13  }
0x114: {  	v2 =	vadd.s32 $0x2710, v2;
	[tilespmem:v24+s13+$0x0] =	vst.idx.add.f32.msk $0xffff, v23;
	v9 =	vunpack.i.l.bf16.f32 v22  }
0x115: {  	[tilespmem:v25+s13+$0x0] =	vst.idx.add.f32.msk $0xffff, v9;
	v9 =	vunpack.i.u.bf16.f32 v17  }
0x116: {  	[tilespmem:v3+s13+$0x0] =	vst.idx.add.f32.msk $0xffff, v9;
	v3 =	vunpack.i.u.bf16.f32 v7;
	v7 =	vadd.s32 $0x2710, v10  }
0x117: {  	v6 =	vor.u32 $0x180, v6;
	[tilespmem:v20+s13+$0x0] =	vst.idx.add.f32.msk $0xffff, v3;
	v3 =	vunpack.i.l.bf16.f32 v4  }
0x118: {  	[tilespmem:v18+s13+$0x0] =	vst.idx.add.f32.msk $0xffff, v3;
	v3 =	vor.u32 $0x180, v13  }
0x119: {  	v1 =	vor.u32 $0x180, v1;
	v2 =	vld.idx.msk [tilespmem:v2+s12+$0x0], $0xffff;
	v21 =	vunpack.i.u.bf16.f32 v22  }
0x11a: {  	[tilespmem:v19+s13+$0x0] =	vst.idx.add.f32.msk $0xffff, v21;
	v9 =	vor.u32 $0x100, v5  }
0x11b: {  	v5 =	vor.u32 $0x180, v5;
	v10 =	vunpack.i.u.bf16.f32 v16;
	v7 =	vld.idx.msk [tilespmem:v7+s12+$0x0], $0xffff  }
0x11c: {  	v4 =	vunpack.i.u.bf16.f32 v4;
	[tilespmem:v6+s13+$0x0] =	vst.idx.add.f32.msk $0xffff, v10;
	v6 =	vor.u32 $0x100, v8  }
0x11d: {  	p0 =	seq.s32 s18, $0x18;
	v8 =	vor.u32 $0x180, v8;
	[tilespmem:v3+s13+$0x0] =	vst.idx.add.f32.msk $0xffff, v4;
	v3 =	vunpack.i.u.bf16.f32 v11  }
0x11e: {  	s19 =	smul.u32 @!p0 $0x3200, s18;
	[tilespmem:v1+s13+$0x0] =	vst.idx.add.f32.msk $0xffff, v3;
	v1 =	vunpack.i.l.bf16.f32 v2  }
0x11f: {  	v2 =	vunpack.i.u.bf16.f32 v2;
	[tilespmem:v9+s13+$0x0] =	vst.idx.add.f32.msk $0xffff, v1  }
0x120: {  	s19 =	sshrl.u32 @!p0 s19, $0x3;
	v1 =	vunpack.i.l.bf16.f32 v7;
	[tilespmem:v5+s13+$0x0] =	vst.idx.add.f32.msk $0xffff, v2  }
0x121: {  	s19 =	sadd.s32 @!p0 s3, s19;
	v2 =	vunpack.i.u.bf16.f32 v7;
	[tilespmem:v6+s13+$0x0] =	vst.idx.add.f32.msk $0xffff, v1  }
0x122: {  	s20 =	simm.s32 @!p0 $0x0;
	s21 =	simm.s32 @!p0 $0x18860;
	s19 =	sadd.s32 @!p0 $0x640, s19;
	[tilespmem:v8+s13+$0x0] =	vst.idx.add.f32.msk $0xffff, v2  }
0x123: {  	[tilespmem:s21], [sflag:$0x1] =	stream.linear.gather @!p0 [hbm4b:s19+s20], $0x1900, $0x38;
	[tilespmem:$0x1BA60] =	vst v63  }
0x124: {  	_ =	swait.ge [sflag:s14], $0x1900  }
0x125: {  	[sflag:s14] =	ssyncset.done $0x0  }
0x126: {  	s19 =	simm.s32 $0x1A1A0;
	[sflag:s14] =	ssyncadd.s32 $0xFFFFE700  }
0x127: {  	v1 =	vld [tilespmem:s19+$0xFFFFFFC0]  }
0x128: {  	v2 =	vld [tilespmem:s19+$0x10]  }
0x129: {  	v3 =	vld [tilespmem:s19+$0x30]  }
0x12a: {  	v4 =	vld [tilespmem:s19+$0x20]  }
0x12b: {  	v5 =	vld [tilespmem:s19+$0x0]  }
0x12c: {  	v8 =	vld [tilespmem:s19+$0xFFFFFFD0]  }
0x12d: {  	v7 =	vld [tilespmem:s19+$0xFFFFFFF0];
	_ =	sdelay $0x1  }
0x12e: {  	v6 =	vunpack.i.l.s16.s32 v1;
	v12 =	vunpack.i.u.s16.s32 v2;
	v1 =	vunpack.i.u.s16.s32 v1  }
0x12f: {  	v9 =	vunpack.i.u.s16.s32 v3;
	v13 =	vunpack.i.l.s16.s32 v3;
	v11 =	vunpack.i.u.s16.s32 v4  }
0x130: {  	v14 =	vld [tilespmem:s19+$0xFFFFFFE0];
	v15 =	vunpack.i.l.s16.s32 v4;
	v4 =	vunpack.i.l.s16.s32 v2;
	v17 =	vunpack.i.u.s16.s32 v5  }
0x131: {  	v20 =	vunpack.i.l.s16.s32 v5;
	v2 =	vunpack.i.l.s16.s32 v8;
	v18 =	vunpack.i.u.s16.s32 v7  }
0x132: {  	v21 =	vunpack.i.l.s16.s32 v7;
	v8 =	vunpack.i.u.s16.s32 v8;
	v10 =	vshll.u32 v1, $0x2  }
0x133: {  	v1 =	vand.u32 $0x7F, v1;
	v16 =	vshll.u32 v11, $0x2;
	v3 =	vand.u32 $0xFFFFFE00, v10;
	v5 =	vld.idx.msk [tilespmem:v6+s12+$0x0], $0xffff  }
0x134: {  	v22 =	vand.u32 $0x7F, v9;
	v10 =	vadd.s32 $0x2710, v15;
	v3 =	vor.u32 v3, v1;
	v23 =	vld.idx.msk [tilespmem:v13+s12+$0x0], $0xffff  }
0x135: {  	v16 =	vand.u32 $0xFFFFFE00, v16;
	v1 =	vand.u32 $0x7F, v11;
	v11 =	vunpack.i.l.s16.s32 v14;
	v15 =	vld.idx.msk [tilespmem:v15+s12+$0x0], $0xffff  }
0x136: {  	v24 =	vand.u32 $0x7F, v18;
	v25 =	vshll.u32 v9, $0x2;
	v1 =	vor.u32 v16, v1;
	v9 =	vld.idx.msk [tilespmem:v4+s12+$0x0], $0xffff  }
0x137: {  	v7 =	vadd.s32 $0x2710, v21;
	v63 =	vadd.s32 $0x2710, v13;
	v26 =	vor.u32 $0x80, v3;
	v19 =	vld.idx.msk [tilespmem:v2+s12+$0x0], $0xffff  }
0x138: {  	v14 =	vunpack.i.u.s16.s32 v14;
	v16 =	vshll.u32 v18, $0x2;
	v28 =	vld.idx.msk [tilespmem:v21+s12+$0x0], $0xffff;
	v18 =	vunpack.i.l.bf16.f32 v5  }
0x139: {  	v27 =	vand.u32 $0xFFFFFE00, v16;
	[tilespmem:v3+s13+$0x0] =	vst.idx.add.f32.msk $0xffff, v18;
	v18 =	vand.u32 $0xFFFFFE00, v25;
	v25 =	vadd.s32 $0x2710, v6  }
0x13a: {  	v16 =	vshll.u32 v17, $0x2;
	v30 =	vld.idx.msk [tilespmem:v11+s12+$0x0], $0xffff;
	v29 =	vunpack.i.l.bf16.f32 v15;
	v6 =	vor.u32 v18, v22  }
0x13b: {  	v5 =	vunpack.i.u.bf16.f32 v5;
	[tilespmem:v1+s13+$0x0] =	vst.idx.add.f32.msk $0xffff, v29;
	v18 =	vshll.u32 v12, $0x2;
	v31 =	vor.u32 $0x80, v6  }
0x13c: {  	v21 =	vshll.u32 v8, $0x2;
	[tilespmem:v26+s13+$0x0] =	vst.idx.add.f32.msk $0xffff, v5;
	v5 =	vand.u32 $0x7F, v12;
	v13 =	vand.u32 $0xFFFFFE00, v18  }
0x13d: {  	v21 =	vand.u32 $0xFFFFFE00, v21;
	v12 =	vand.u32 $0x7F, v17;
	v18 =	vld.idx.msk [tilespmem:v20+s12+$0x0], $0xffff;
	v13 =	vor.u32 v13, v5  }
0x13e: {  	v26 =	vor.u32 $0x80, v1;
	v5 =	vand.u32 $0x7F, v8;
	v8 =	vunpack.i.l.bf16.f32 v23;
	v17 =	vld.idx.msk [tilespmem:v25+s12+$0x0], $0xffff  }
0x13f: {  	v16 =	vand.u32 $0xFFFFFE00, v16;
	v23 =	vunpack.i.u.bf16.f32 v23;
	v5 =	vor.u32 v21, v5;
	[tilespmem:v6+s13+$0x0] =	vst.idx.add.f32.msk $0xffff, v8  }
0x140: {  	v22 =	vadd.s32 $0x2710, v20;
	v20 =	vor.u32 v27, v24;
	v21 =	vor.u32 v16, v12;
	[tilespmem:v31+s13+$0x0] =	vst.idx.add.f32.msk $0xffff, v23  }
0x141: {  	v12 =	vand.u32 $0x7F, v14;
	v8 =	vshll.u32 v14, $0x2;
	v14 =	vunpack.i.l.bf16.f32 v9;
	v16 =	vld.idx.msk [tilespmem:v63+s12+$0x0], $0xffff  }
0x142: {  	v24 =	vor.u32 $0x80, v20;
	v25 =	vunpack.i.u.bf16.f32 v28;
	[tilespmem:v13+s13+$0x0] =	vst.idx.add.f32.msk $0xffff, v14;
	v14 =	vunpack.i.u.bf16.f32 v15  }
0x143: {  	v23 =	vor.u32 $0x80, v5;
	v8 =	vand.u32 $0xFFFFFE00, v8;
	v15 =	vunpack.i.l.bf16.f32 v19;
	[tilespmem:v26+s13+$0x0] =	vst.idx.add.f32.msk $0xffff, v14  }
0x144: {  	v27 =	vunpack.i.l.bf16.f32 v18;
	v8 =	vor.u32 v8, v12;
	v12 =	vunpack.i.u.bf16.f32 v30;
	[tilespmem:v5+s13+$0x0] =	vst.idx.add.f32.msk $0xffff, v15  }
0x145: {  	s20 =	simm.s32 $0x0;
	v14 =	vunpack.i.l.bf16.f32 v30;
	v15 =	vor.u32 $0x80, v8;
	v26 =	vunpack.i.l.bf16.f32 v28;
	[tilespmem:v21+s13+$0x0] =	vst.idx.add.f32.msk $0xffff, v27  }
.LBB2_9:
0x146: {  	s20 =	sadd.s32 $0x8, s20;
	v10 =	vld.idx.msk [tilespmem:v10+s12+$0x0], $0xffff;
	s19 =	sadd.s32 $0x80, s19  }
0x147: {  	v19 =	vunpack.i.u.bf16.f32 v19;
	p1 =	slt.u32 s20, $0x188;
	[tilespmem:v20+s13+$0x0] =	vst.idx.add.f32.msk $0xffff, v26  }
0x148: {  	[tilespmem:v23+s13+$0x0] =	vst.idx.add.f32.msk $0xffff, v19  }
0x149: {  	v11 =	vadd.s32 $0x2710, v11;
	v19 =	vunpack.i.l.bf16.f32 v17;
	[tilespmem:v24+s13+$0x0] =	vst.idx.add.f32.msk $0xffff, v25  }
0x14a: {  	v23 =	vld [tilespmem:s19+$0x0]  }
0x14b: {  	v25 =	vor.u32 $0x80, v21;
	v24 =	vld [tilespmem:s19+$0x20]  }
0x14c: {  	v26 =	vld [tilespmem:s19+$0x10]  }
0x14d: {  	v28 =	vor.u32 $0x80, v13;
	v27 =	vld [tilespmem:s19+$0x30]  }
0x14e: {  	v29 =	vld [tilespmem:s19+$0xFFFFFFC0]  }
0x14f: {  	v18 =	vunpack.i.u.bf16.f32 v18;
	v30 =	vor.u32 $0x100, v1;
	v7 =	vld.idx.msk [tilespmem:v7+s12+$0x0], $0xffff  }
0x150: {  	v4 =	vadd.s32 $0x2710, v4;
	[tilespmem:v25+s13+$0x0] =	vst.idx.add.f32.msk $0xffff, v18  }
0x151: {  	v9 =	vunpack.i.u.bf16.f32 v9;
	v25 =	vor.u32 $0x100, v6;
	v18 =	vunpack.i.u.s16.s32 v26;
	v22 =	vld.idx.msk [tilespmem:v22+s12+$0x0], $0xffff  }
0x152: {  	v31 =	vor.u32 $0x100, v20;
	[tilespmem:v28+s13+$0x0] =	vst.idx.add.f32.msk $0xffff, v9  }
0x153: {  	v32 =	vunpack.i.l.bf16.f32 v10;
	v28 =	vor.u32 $0x100, v3;
	v9 =	vld [tilespmem:s19+$0xFFFFFFF0]  }
0x154: {  	v33 =	vor.u32 $0x100, v21;
	[tilespmem:v30+s13+$0x0] =	vst.idx.add.f32.msk $0xffff, v32  }
0x155: {  	v21 =	vor.u32 $0x180, v21;
	v30 =	vunpack.i.l.bf16.f32 v16;
	v4 =	vld.idx.msk [tilespmem:v4+s12+$0x0], $0xffff  }
0x156: {  	v3 =	vor.u32 $0x180, v3;
	v32 =	vunpack.i.l.bf16.f32 v7;
	[tilespmem:v25+s13+$0x0] =	vst.idx.add.f32.msk $0xffff, v30  }
0x157: {  	v20 =	vor.u32 $0x180, v20;
	[tilespmem:v31+s13+$0x0] =	vst.idx.add.f32.msk $0xffff, v32  }
0x158: {  	v25 =	vor.u32 $0x100, v13;
	[tilespmem:v28+s13+$0x0] =	vst.idx.add.f32.msk $0xffff, v19;
	v19 =	vunpack.i.l.bf16.f32 v22  }
0x159: {  	v2 =	vadd.s32 $0x2710, v2;
	v22 =	vunpack.i.u.bf16.f32 v22;
	[tilespmem:v33+s13+$0x0] =	vst.idx.add.f32.msk $0xffff, v19  }
0x15a: {  	v17 =	vunpack.i.u.bf16.f32 v17;
	v6 =	vor.u32 $0x180, v6;
	[tilespmem:v21+s13+$0x0] =	vst.idx.add.f32.msk $0xffff, v22  }
0x15b: {  	[tilespmem:v3+s13+$0x0] =	vst.idx.add.f32.msk $0xffff, v17;
	v3 =	vunpack.i.u.bf16.f32 v7;
	v7 =	vor.u32 $0x180, v13  }
0x15c: {  	[tilespmem:v20+s13+$0x0] =	vst.idx.add.f32.msk $0xffff, v3;
	v3 =	vunpack.i.l.bf16.f32 v4  }
0x15d: {  	[tilespmem:v25+s13+$0x0] =	vst.idx.add.f32.msk $0xffff, v3  }
0x15e: {  	v17 =	vor.u32 $0x180, v5;
	v13 =	vld.idx.msk [tilespmem:v2+s12+$0x0], $0xffff;
	v2 =	vunpack.i.u.bf16.f32 v16  }
0x15f: {  	v5 =	vor.u32 $0x100, v5;
	v3 =	vunpack.i.u.bf16.f32 v4;
	v16 =	vor.u32 $0x180, v8;
	[tilespmem:v6+s13+$0x0] =	vst.idx.add.f32.msk $0xffff, v2  }
0x160: {  	v1 =	vor.u32 $0x180, v1;
	v6 =	vor.u32 $0x100, v8;
	v2 =	vunpack.i.u.bf16.f32 v10;
	[tilespmem:v7+s13+$0x0] =	vst.idx.add.f32.msk $0xffff, v3  }
0x161: {  	v21 =	vunpack.i.u.s16.s32 v27;
	v20 =	vunpack.i.l.s16.s32 v29;
	v3 =	vunpack.i.u.s16.s32 v29;
	v19 =	vld [tilespmem:s19+$0xFFFFFFE0]  }
0x162: {  	v22 =	vunpack.i.l.s16.s32 v27;
	v4 =	vshll.u32 v3, $0x2;
	v3 =	vand.u32 $0x7F, v3;
	[tilespmem:v8+s13+$0x0] =	vst.idx.add.f32.msk $0xffff, v14  }
0x163: {  	v25 =	vunpack.i.u.s16.s32 v24;
	v24 =	vunpack.i.l.s16.s32 v24;
	v8 =	vand.u32 $0xFFFFFE00, v4;
	v14 =	vld [tilespmem:s19+$0xFFFFFFD0]  }
0x164: {  	v4 =	vunpack.i.l.s16.s32 v26;
	v26 =	vshll.u32 v25, $0x2;
	v27 =	vunpack.i.u.bf16.f32 v13;
	[tilespmem:v15+s13+$0x0] =	vst.idx.add.f32.msk $0xffff, v12  }
0x165: {  	v10 =	vadd.s32 $0x2710, v24;
	v12 =	vunpack.i.u.s16.s32 v23;
	v15 =	vunpack.i.l.s16.s32 v23;
	v11 =	vld.idx.msk [tilespmem:v11+s12+$0x0], $0xffff  }
0x166: {  	v28 =	vunpack.i.l.s16.s32 v9;
	v29 =	vand.u32 $0x7F, v21;
	v23 =	vunpack.i.u.s16.s32 v9;
	[tilespmem:v1+s13+$0x0] =	vst.idx.add.f32.msk $0xffff, v2  }
0x167: {  	v7 =	vadd.s32 $0x2710, v28;
	v21 =	vshll.u32 v21, $0x2;
	v31 =	vand.u32 $0x7F, v23;
	v30 =	vld.idx.msk [tilespmem:v20+s12+$0x0], $0xffff  }
0x168: {  	v3 =	vor.u32 v8, v3;
	v8 =	vunpack.i.u.s16.s32 v19;
	v2 =	vunpack.i.l.s16.s32 v14;
	v32 =	vld.idx.msk [tilespmem:v22+s12+$0x0], $0xffff  }
0x169: {  	v1 =	vshll.u32 v23, $0x2;
	v23 =	vand.u32 $0x7F, v25;
	v14 =	vunpack.i.u.s16.s32 v14;
	v33 =	vld.idx.msk [tilespmem:v24+s12+$0x0], $0xffff  }
0x16a: {  	v13 =	vunpack.i.l.bf16.f32 v13;
	v24 =	vand.u32 $0xFFFFFE00, v1;
	v1 =	vand.u32 $0xFFFFFE00, v26;
	v9 =	vld.idx.msk [tilespmem:v4+s12+$0x0], $0xffff  }
0x16b: {  	v25 =	vshll.u32 v8, $0x2;
	v26 =	vshll.u32 v12, $0x2;
	[tilespmem:v5+s13+$0x0] =	vst.idx.add.f32.msk $0xffff, v13;
	v13 =	vunpack.i.u.bf16.f32 v11  }
0x16c: {  	v12 =	vand.u32 $0x7F, v12;
	v5 =	vshll.u32 v14, $0x2;
	[tilespmem:v17+s13+$0x0] =	vst.idx.add.f32.msk $0xffff, v27;
	v17 =	vunpack.i.l.bf16.f32 v11  }
0x16d: {  	v1 =	vor.u32 v1, v23;
	v5 =	vand.u32 $0xFFFFFE00, v5;
	v11 =	vunpack.i.l.s16.s32 v19;
	[tilespmem:v6+s13+$0x0] =	vst.idx.add.f32.msk $0xffff, v17  }
0x16e: {  	v14 =	vand.u32 $0x7F, v14;
	v6 =	vunpack.i.l.bf16.f32 v30;
	v17 =	vshll.u32 v18, $0x2;
	v19 =	vld.idx.msk [tilespmem:v2+s12+$0x0], $0xffff  }
0x16f: {  	v23 =	vor.u32 $0x80, v3;
	v27 =	vor.u32 $0x80, v1;
	[tilespmem:v3+s13+$0x0] =	vst.idx.add.f32.msk $0xffff, v6;
	v6 =	vand.u32 $0xFFFFFE00, v21  }
0x170: {  	v5 =	vor.u32 v5, v14;
	v34 =	vunpack.i.u.bf16.f32 v32;
	v14 =	vunpack.i.l.bf16.f32 v33;
	[tilespmem:v16+s13+$0x0] =	vst.idx.add.f32.msk $0xffff, v13  }
0x171: {  	v16 =	vadd.s32 $0x2710, v20;
	v6 =	vor.u32 v6, v29;
	v29 =	vadd.s32 $0x2710, v22;
	v28 =	vld.idx.msk [tilespmem:v28+s12+$0x0], $0xffff  }
0x172: {  	v21 =	vand.u32 $0xFFFFFE00, v26;
	v22 =	vadd.s32 $0x2710, v15;
	v26 =	vor.u32 $0x80, v6;
	v35 =	vld.idx.msk [tilespmem:v11+s12+$0x0], $0xffff  }
0x173: {  	v17 =	vand.u32 $0xFFFFFE00, v17;
	v13 =	vunpack.i.u.bf16.f32 v30;
	[tilespmem:v1+s13+$0x0] =	vst.idx.add.f32.msk $0xffff, v14  }
0x174: {  	v8 =	vand.u32 $0x7F, v8;
	v14 =	vunpack.i.l.bf16.f32 v32;
	[tilespmem:v23+s13+$0x0] =	vst.idx.add.f32.msk $0xffff, v13;
	v13 =	vand.u32 $0x7F, v18  }
0x175: {  	v20 =	vand.u32 $0xFFFFFE00, v25;
	v23 =	vor.u32 $0x80, v5;
	v18 =	vld.idx.msk [tilespmem:v15+s12+$0x0], $0xffff;
	v13 =	vor.u32 v17, v13  }
0x176: {  	v21 =	vor.u32 v21, v12;
	v8 =	vor.u32 v20, v8;
	v20 =	vor.u32 v24, v31;
	v17 =	vld.idx.msk [tilespmem:v16+s12+$0x0], $0xffff  }
0x177: {  	v24 =	vor.u32 $0x80, v20;
	[tilespmem:v6+s13+$0x0] =	vst.idx.add.f32.msk $0xffff, v14  }
0x178: {  	v14 =	vunpack.i.l.bf16.f32 v35;
	[tilespmem:v26+s13+$0x0] =	vst.idx.add.f32.msk $0xffff, v34  }
.Ltmp5:
0x179: {  	v25 =	vunpack.i.l.bf16.f32 v9;
	v12 =	vunpack.i.u.bf16.f32 v35;
	v16 =	vld.idx.msk [tilespmem:v29+s12+$0x0], $0xffff;
	(pc) =	sbr.rel @p1 .LBB2_9-.Ltmp5, $4  }
0x17a: {  	v15 =	vor.u32 $0x80, v8;
	v26 =	vunpack.i.l.bf16.f32 v28;
	[tilespmem:v13+s13+$0x0] =	vst.idx.add.f32.msk $0xffff, v25;
	v25 =	vunpack.i.u.bf16.f32 v33  }
0x17b: {  	v29 =	vunpack.i.l.bf16.f32 v19;
	v30 =	vunpack.i.l.bf16.f32 v18;
	[tilespmem:v27+s13+$0x0] =	vst.idx.add.f32.msk $0xffff, v25  }
0x17c: {  	[tilespmem:v5+s13+$0x0] =	vst.idx.add.f32.msk $0xffff, v29  }
0x17d: {  	v25 =	vunpack.i.u.bf16.f32 v28;
	[tilespmem:v21+s13+$0x0] =	vst.idx.add.f32.msk $0xffff, v30  }
0x17e: {  	_ =	sdelay $0x3  }
0x17f: {  	[tilespmem:v20+s13+$0x0] =	vst.idx.add.f32.msk $0xffff, v26  }
0x180: {  	v10 =	vld.idx.msk [tilespmem:v10+s12+$0x0], $0xffff  }
0x181: {  	v40 =	vor.u32 $0x80, v21;
	v19 =	vunpack.i.u.bf16.f32 v19;
	[tilespmem:v8+s13+$0x0] =	vst.idx.add.f32.msk $0xffff, v14  }
0x182: {  	v41 =	vor.u32 $0x80, v13;
	[tilespmem:v23+s13+$0x0] =	vst.idx.add.f32.msk $0xffff, v19  }
0x183: {  	v43 =	vor.u32 $0x100, v6;
	[tilespmem:v24+s13+$0x0] =	vst.idx.add.f32.msk $0xffff, v25  }
0x184: {  	v45 =	vor.u32 $0x100, v3;
	[tilespmem:v15+s13+$0x0] =	vst.idx.add.f32.msk $0xffff, v12  }
0x185: {  	v18 =	vunpack.i.u.bf16.f32 v18;
	v2 =	vadd.s32 $0x2710, v2;
	v7 =	vld.idx.msk [tilespmem:v7+s12+$0x0], $0xffff  }
0x186: {  	v4 =	vadd.s32 $0x2710, v4;
	v9 =	vunpack.i.u.bf16.f32 v9;
	[tilespmem:v40+s13+$0x0] =	vst.idx.add.f32.msk $0xffff, v18  }
0x187: {  	v49 =	vunpack.i.l.bf16.f32 v16;
	[tilespmem:v41+s13+$0x0] =	vst.idx.add.f32.msk $0xffff, v9  }
0x188: {  	v42 =	vor.u32 $0x100, v1;
	v51 =	vunpack.i.l.bf16.f32 v17;
	[tilespmem:v43+s13+$0x0] =	vst.idx.add.f32.msk $0xffff, v49  }
0x189: {  	v3 =	vor.u32 $0x180, v3;
	[tilespmem:v45+s13+$0x0] =	vst.idx.add.f32.msk $0xffff, v51  }
0x18a: {  	v44 =	vor.u32 $0x100, v20;
	v2 =	vld.idx.msk [tilespmem:v2+s12+$0x0], $0xffff  }
0x18b: {  	v52 =	vor.u32 $0x180, v20;
	v4 =	vld.idx.msk [tilespmem:v4+s12+$0x0], $0xffff  }
0x18c: {  	v54 =	vor.u32 $0x100, v13;
	v46 =	vunpack.i.l.bf16.f32 v10;
	v22 =	vld.idx.msk [tilespmem:v22+s12+$0x0], $0xffff  }
0x18d: {  	v56 =	vunpack.i.u.bf16.f32 v17;
	v58 =	vor.u32 $0x180, v6;
	[tilespmem:v42+s13+$0x0] =	vst.idx.add.f32.msk $0xffff, v46  }
0x18e: {  	v57 =	vadd.s32 $0x2710, v11;
	[tilespmem:v3+s13+$0x0] =	vst.idx.add.f32.msk $0xffff, v56;
	v50 =	vunpack.i.l.bf16.f32 v7  }
0x18f: {  	v47 =	vor.u32 $0x100, v21;
	v3 =	vunpack.i.u.bf16.f32 v7;
	[tilespmem:v44+s13+$0x0] =	vst.idx.add.f32.msk $0xffff, v50  }
0x190: {  	v48 =	vor.u32 $0x180, v21;
	[tilespmem:v52+s13+$0x0] =	vst.idx.add.f32.msk $0xffff, v3;
	v3 =	vunpack.i.l.bf16.f32 v4  }
0x191: {  	v61 =	vunpack.i.u.bf16.f32 v16;
	[tilespmem:v54+s13+$0x0] =	vst.idx.add.f32.msk $0xffff, v3;
	v3 =	vor.u32 $0x180, v13  }
0x192: {  	v1 =	vor.u32 $0x180, v1;
	[tilespmem:v58+s13+$0x0] =	vst.idx.add.f32.msk $0xffff, v61  }
0x193: {  	v59 =	vor.u32 $0x100, v5;
	v7 =	vld.idx.msk [tilespmem:v57+s12+$0x0], $0xffff;
	v53 =	vunpack.i.l.bf16.f32 v22  }
0x194: {  	v60 =	vor.u32 $0x180, v5;
	v55 =	vunpack.i.u.bf16.f32 v22;
	[tilespmem:v47+s13+$0x0] =	vst.idx.add.f32.msk $0xffff, v53  }
0x195: {  	v62 =	vor.u32 $0x100, v8;
	v4 =	vunpack.i.u.bf16.f32 v4;
	[tilespmem:v48+s13+$0x0] =	vst.idx.add.f32.msk $0xffff, v55  }
0x196: {  	v63 =	vor.u32 $0x180, v8;
	[tilespmem:v3+s13+$0x0] =	vst.idx.add.f32.msk $0xffff, v4;
	v3 =	vunpack.i.u.bf16.f32 v10  }
.Ltmp6:
0x197: {  	[tilespmem:v1+s13+$0x0] =	vst.idx.add.f32.msk $0xffff, v3;
	v1 =	vunpack.i.l.bf16.f32 v2;
	(pc) =	sbr.rel @p0 .LBB2_12-.Ltmp6, $4  }
0x198: {  	v2 =	vunpack.i.u.bf16.f32 v2;
	[tilespmem:v59+s13+$0x0] =	vst.idx.add.f32.msk $0xffff, v1  }
0x199: {  	v1 =	vunpack.i.l.bf16.f32 v7;
	[tilespmem:v60+s13+$0x0] =	vst.idx.add.f32.msk $0xffff, v2  }
0x19a: {  	v2 =	vunpack.i.u.bf16.f32 v7;
	[tilespmem:v62+s13+$0x0] =	vst.idx.add.f32.msk $0xffff, v1  }
0x19b: {  	[tilespmem:v63+s13+$0x0] =	vst.idx.add.f32.msk $0xffff, v2  }
0x19c: {  	s19 =	smul.u32 $0x3200, s18  }
.Ltmp7:
0x19d: {  	_ = 	snop;
	(pc) =	sbr.rel .LBB2_6-.Ltmp7, $4  }
0x19e: {  	s19 =	sshrl.u32 s19, $0x3  }
0x19f: {  	s19 =	sadd.s32 s3, s19  }
0x1a0: {  	s18 =	sadd.s32 $0x1, s18;
	s19 =	sadd.s32 $0x960, s19  }
0x1a1: {  	[tilespmem:s10], [sflag:$0x2] =	stream.linear.gather [hbm4b:s19+s2], $0x1900, $0x38;
	[tilespmem:$0x1BA60] =	vst v63  }
.LBB2_13:
0x1a2: {  	_ =	sfence.sel $0x180000  }
0x1a3: {  	[bflag:$0x0] =	sbarrier.arrive $0xFFFF  }
0x1a4: {  	p0 =	sne.s32 s0, $0x0;
	_ =	strace $0x90000047  }
0x1a5: {  	s0 =	sadd.s32 @!p0 $0x100000, s1;
	[bflag:$0x2] =	sbarrier.arrive $0xFFFF  }
0x1a6: {  	[sflag:s0] =	ssyncadd.tile.s32 @!p0 $0x1;
	_ =	shalt  }
.Lfunc_end2:
_tile_overlayer_lowered:
.L_overlay_start_2:
0x1a7: {  	(tag) =	ssettag $0x2  }
0x1a8: {  	s0 =	rddreg [dreg:$0x0];
	s2 =	stileid.u32  }
0x1a9: {  	s1 =	rddreg [dreg:$0x1];
	p0 =	sne.s32 s2, $0x0  }
0x1aa: {  	s3 =	rddreg [dreg:$0x2];
	[bflag:$0x3] =	sbarrier.arrive $0xFFFF;
	s2 =	simm.s32 @!p0 $0x1C03  }
0x1ab: {  	[timem:s3], [sflag:s2] =	dma.local @!p0 [hbm:s0], s1  }
0x1ac: {  	s0 =	simm.s32 @!p0 $0x3  }
0x1ad: {  	_ =	swait.ge @!p0 [sflag:s0], s1  }
0x1ae: {  	s1 =	ssub.s32 @!p0 $0x0, s1;
	[sflag:s0] =	ssyncset.done @!p0 $0x0  }
0x1af: {  	[sflag:s0] =	ssyncadd.s32 @!p0 s1  }
0x1b0: {  	[bflag:$0x3] =	sbarrier.arrive $0xFFFF  }
0x1b1: {  	_ =	shalt  }

</sc_bundles>
